<compile_context>
chip_gen: v7x
topology: tpu7x:2x2x1
jax: 0.10.2.dev20260603
libtpu: 0.0.44.dev20260713+nightly
codegen_flags: <defaults>
</compile_context>

<pallas_src>
import functools

import jax
import jax.numpy as jnp
from jax import lax
from jax.experimental import pallas as pl
from jax.experimental.pallas import tpu as pltpu
from jax.experimental.pallas import tpu_sc as plsc

D0, D1, D2 = 512, 512, 256
B = 16384
NC, NS, L = 2, 16, 16
NW = NC * NS
BPW = B // NW
NCHUNK = 2
CHS = (256, 256)
CHO = (0, 256)


def _gather_body(x0_hbm, x1_hbm, x2_hbm, board_hbm, out_hbm,
                 x0_v, x1_v, idx_a, idx_b, val_a, val_b, sem, wsem):
    wid = lax.axis_index("s") * NC + lax.axis_index("c")
    base = wid * BPW
    idx_c = (idx_a, idx_b)
    val_c = (val_a, val_b)
    stages = [pltpu.async_copy(x0_hbm.at[pl.ds(base, BPW)], x0_v, sem),
              pltpu.async_copy(x1_hbm.at[pl.ds(base, BPW)], x1_v, sem)]
    for c in range(NCHUNK):
        stages.append(pltpu.async_copy(
            x2_hbm.at[pl.ds(base + CHO[c], CHS[c])], idx_c[c], sem))
    for s in stages:
        s.wait()
    gathers = []
    for c in range(NCHUNK):
        for i in range(CHS[c] // L):
            s = pl.ds(i * L, L)
            x1v = x1_v[pl.ds(CHO[c] + i * L, L)]
            x2v = idx_c[c][s]
            idx_c[c][s] = ((x0_v[pl.ds(CHO[c] + i * L, L)] << 17)
                           + (x1v << 7) + ((x1v >> 3) << 10)
                           + x2v + (x2v >> 7) * 896)
        gathers.append(pltpu.async_copy(
            board_hbm.at[idx_c[c]], val_c[c], sem))
    writes = []
    for c in range(NCHUNK):
        gathers[c].wait()
        writes.append(pltpu.async_copy(
            val_c[c], out_hbm.at[pl.ds(base + CHO[c], CHS[c])], wsem))
    for w in writes:
        w.wait()


@jax.jit
def _gather(x0, x1, x2, board):
    mesh = plsc.VectorSubcoreMesh(core_axis_name="c", subcore_axis_name="s")
    fn = functools.partial(
        pl.kernel,
        mesh=mesh,
        out_type=jax.ShapeDtypeStruct((B,), jnp.float32),
        scratch_types=[
            pltpu.VMEM((BPW,), jnp.int32),
            pltpu.VMEM((BPW,), jnp.int32),
            pltpu.VMEM((CHS[0],), jnp.int32),
            pltpu.VMEM((CHS[1],), jnp.int32),
            pltpu.VMEM((CHS[0],), jnp.float32),
            pltpu.VMEM((CHS[1],), jnp.float32),
            pltpu.SemaphoreType.DMA,
            pltpu.SemaphoreType.DMA,
        ],
    )(_gather_body)
    return fn(x0, x1, x2, board)


def kernel(x0, x1, x2, board):
    x0 = x0.astype(jnp.int32)
    x1 = x1.astype(jnp.int32)
    x2 = x2.astype(jnp.int32)
    raw = (board.reshape(D0, D1 // 8, 8, D2 // 128, 128)
           .transpose(0, 1, 3, 2, 4)
           .reshape(D0 * D1 * D2))
    vals = _gather(x0, x1, x2, raw)
    return vals[:, None]

# --- scband reference (transcript-rebuilt; emitter-appended) ---
"""Pipeline reference for scband-has-value-net-47296179864085 (READ-ONLY COPY).

The authoritative reference and input builder live on the scoring server;
editing this copy changes nothing except your own understanding.
"""

import jax, jax.numpy as jnp
import numpy as np

D0, D1, D2 = 512, 512, 256
B = 16384

def setup_inputs(seed: int = 0) -> dict:
    key = jax.random.key(seed)
    k0, k1, k2, kb = jax.random.split(key, 4)
    x0 = jax.random.randint(k0, (B,), 0, D0)
    x1 = jax.random.randint(k1, (B,), 0, D1)
    x2 = jax.random.randint(k2, (B,), 0, D2)
    board = jax.random.normal(kb, (D0, D1, D2), dtype=jnp.float32)
    return {"x0": x0, "x1": x1, "x2": x2, "board": board}

def reference(x0, x1, x2, board):
    # Faithful translation: stack variadic index args to [B,3], cast to int,
    # gather board[i, j, k], then unsqueeze(1) -> [B, 1].
    idxs = jnp.stack([x0, x1, x2], axis=1).astype(jnp.int32)
    vals = board[idxs[:, 0], idxs[:, 1], idxs[:, 2]]
    return vals[:, None]

if __name__ == "__main__":
    import jax
    _d = setup_inputs()
    print(jax.jit(kernel)(*tuple(_d.values())))

</pallas_src>

<mosaic_0001>
#map = affine_map<(d0, d1) -> (0)>
module attributes {stable_mosaic.version = 14 : i64} {
  func.func @_gather_body(%arg0: i32, %arg1: i32, %arg2: memref<16384xi32, #tpu.memory_space<hbm>>, %arg3: memref<16384xi32, #tpu.memory_space<hbm>>, %arg4: memref<16384xi32, #tpu.memory_space<hbm>>, %arg5: memref<67108864xf32, #tpu.memory_space<hbm>>, %arg6: memref<16384xf32, #tpu.memory_space<hbm>>, %arg7: memref<512xi32, #tpu.memory_space<vmem>>, %arg8: memref<512xi32, #tpu.memory_space<vmem>>, %arg9: memref<256xi32, #tpu.memory_space<vmem>>, %arg10: memref<256xi32, #tpu.memory_space<vmem>>, %arg11: memref<256xf32, #tpu.memory_space<vmem>>, %arg12: memref<256xf32, #tpu.memory_space<vmem>>, %arg13: memref<!tpu.dma_semaphore, #tpu.memory_space<semaphore_mem>>, %arg14: memref<!tpu.dma_semaphore, #tpu.memory_space<semaphore_mem>>) attributes {dimension_semantics = [#tpu.dimension_semantics<core_parallel>, #tpu.dimension_semantics<subcore_parallel>], iteration_bounds = array<i64: 2, 16>, scalar_prefetch = 0 : i64, scratch_operands = 8 : i64, tpu.core_type = #tpu.core_type<sc_vector_subcore>, window_params = [{transform_indices = #map}, {transform_indices = #map}, {transform_indices = #map}, {transform_indices = #map}, {transform_indices = #map}]} {
    %mul3A = arith.constant 2 : i32
    %mul3A_0 = arith.muli %arg1, %mul3A : i32
    %add3A = arith.addi %mul3A_0, %arg0 : i32
    %mul3A_1 = arith.constant 512 : i32
    %mul3A_2 = arith.muli %add3A, %mul3A_1 : i32
    %dma_start3A = tpu.memref_slice %arg2[%mul3A_2] : memref<16384xi32, #tpu.memory_space<hbm>> -> memref<512xi32, #tpu.memory_space<hbm>>
    %dma_start3A_3 = tpu.memref_slice %arg2[%mul3A_2] : memref<16384xi32, #tpu.memory_space<hbm>> -> memref<512xi32, #tpu.memory_space<hbm>>
    tpu.enqueue_dma source(%dma_start3A_3 : memref<512xi32, #tpu.memory_space<hbm>>) target(%arg7 : memref<512xi32, #tpu.memory_space<vmem>>) target_semaphore(%arg13 : memref<!tpu.dma_semaphore, #tpu.memory_space<semaphore_mem>>)
    %dma_start3A_4 = tpu.memref_slice %arg3[%mul3A_2] : memref<16384xi32, #tpu.memory_space<hbm>> -> memref<512xi32, #tpu.memory_space<hbm>>
    %dma_start3A_5 = tpu.memref_slice %arg3[%mul3A_2] : memref<16384xi32, #tpu.memory_space<hbm>> -> memref<512xi32, #tpu.memory_space<hbm>>
    tpu.enqueue_dma source(%dma_start3A_5 : memref<512xi32, #tpu.memory_space<hbm>>) target(%arg8 : memref<512xi32, #tpu.memory_space<vmem>>) target_semaphore(%arg13 : memref<!tpu.dma_semaphore, #tpu.memory_space<semaphore_mem>>)
    %add3A_6 = arith.constant 0 : i32
    %add3A_7 = arith.addi %mul3A_2, %add3A_6 : i32
    %dma_start3A_8 = tpu.memref_slice %arg4[%add3A_7] : memref<16384xi32, #tpu.memory_space<hbm>> -> memref<256xi32, #tpu.memory_space<hbm>>
    %dma_start3A_9 = tpu.memref_slice %arg4[%add3A_7] : memref<16384xi32, #tpu.memory_space<hbm>> -> memref<256xi32, #tpu.memory_space<hbm>>
    tpu.enqueue_dma source(%dma_start3A_9 : memref<256xi32, #tpu.memory_space<hbm>>) target(%arg9 : memref<256xi32, #tpu.memory_space<vmem>>) target_semaphore(%arg13 : memref<!tpu.dma_semaphore, #tpu.memory_space<semaphore_mem>>)
    %add3A_10 = arith.constant 256 : i32
    %add3A_11 = arith.addi %mul3A_2, %add3A_10 : i32
    %dma_start3A_12 = tpu.memref_slice %arg4[%add3A_11] : memref<16384xi32, #tpu.memory_space<hbm>> -> memref<256xi32, #tpu.memory_space<hbm>>
    %dma_start3A_13 = tpu.memref_slice %arg4[%add3A_11] : memref<16384xi32, #tpu.memory_space<hbm>> -> memref<256xi32, #tpu.memory_space<hbm>>
    tpu.enqueue_dma source(%dma_start3A_13 : memref<256xi32, #tpu.memory_space<hbm>>) target(%arg10 : memref<256xi32, #tpu.memory_space<vmem>>) target_semaphore(%arg13 : memref<!tpu.dma_semaphore, #tpu.memory_space<semaphore_mem>>)
    %dma_wait3A = tpu.memref_slice %arg2[%mul3A_2] : memref<16384xi32, #tpu.memory_space<hbm>> -> memref<512xi32, #tpu.memory_space<hbm>>
    %dma_wait3A_14 = tpu.memref_slice %arg2[%mul3A_2] : memref<16384xi32, #tpu.memory_space<hbm>> -> memref<512xi32, #tpu.memory_space<hbm>>
    tpu.wait_dma2 semaphore(%arg13 : memref<!tpu.dma_semaphore, #tpu.memory_space<semaphore_mem>>) src(%dma_wait3A_14 : memref<512xi32, #tpu.memory_space<hbm>>) dst(%arg7 : memref<512xi32, #tpu.memory_space<vmem>>)
    %dma_wait3A_15 = tpu.memref_slice %arg3[%mul3A_2] : memref<16384xi32, #tpu.memory_space<hbm>> -> memref<512xi32, #tpu.memory_space<hbm>>
    %dma_wait3A_16 = tpu.memref_slice %arg3[%mul3A_2] : memref<16384xi32, #tpu.memory_space<hbm>> -> memref<512xi32, #tpu.memory_space<hbm>>
    tpu.wait_dma2 semaphore(%arg13 : memref<!tpu.dma_semaphore, #tpu.memory_space<semaphore_mem>>) src(%dma_wait3A_16 : memref<512xi32, #tpu.memory_space<hbm>>) dst(%arg8 : memref<512xi32, #tpu.memory_space<vmem>>)
    %dma_wait3A_17 = tpu.memref_slice %arg4[%add3A_7] : memref<16384xi32, #tpu.memory_space<hbm>> -> memref<256xi32, #tpu.memory_space<hbm>>
    %dma_wait3A_18 = tpu.memref_slice %arg4[%add3A_7] : memref<16384xi32, #tpu.memory_space<hbm>> -> memref<256xi32, #tpu.memory_space<hbm>>
    tpu.wait_dma2 semaphore(%arg13 : memref<!tpu.dma_semaphore, #tpu.memory_space<semaphore_mem>>) src(%dma_wait3A_18 : memref<256xi32, #tpu.memory_space<hbm>>) dst(%arg9 : memref<256xi32, #tpu.memory_space<vmem>>)
    %dma_wait3A_19 = tpu.memref_slice %arg4[%add3A_11] : memref<16384xi32, #tpu.memory_space<hbm>> -> memref<256xi32, #tpu.memory_space<hbm>>
    %dma_wait3A_20 = tpu.memref_slice %arg4[%add3A_11] : memref<16384xi32, #tpu.memory_space<hbm>> -> memref<256xi32, #tpu.memory_space<hbm>>
    tpu.wait_dma2 semaphore(%arg13 : memref<!tpu.dma_semaphore, #tpu.memory_space<semaphore_mem>>) src(%dma_wait3A_20 : memref<256xi32, #tpu.memory_space<hbm>>) dst(%arg10 : memref<256xi32, #tpu.memory_space<vmem>>)
    %get3A = arith.constant 0 : index
    %get3A_21 = tpu.vector_load %arg8[%get3A] {strides = array<i32>} : memref<512xi32, #tpu.memory_space<vmem>>, vector<16xi32>,
    %get3A_22 = vector.shape_cast %get3A_21 : vector<16xi32> to vector<16xi32>
    %get3A_23 = arith.constant 0 : index
    %get3A_24 = tpu.vector_load %arg9[%get3A_23] {strides = array<i32>} : memref<256xi32, #tpu.memory_space<vmem>>, vector<16xi32>,
    %get3A_25 = vector.shape_cast %get3A_24 : vector<16xi32> to vector<16xi32>
    %get3A_26 = arith.constant 0 : index
    %get3A_27 = tpu.vector_load %arg7[%get3A_26] {strides = array<i32>} : memref<512xi32, #tpu.memory_space<vmem>>, vector<16xi32>,
    %get3A_28 = vector.shape_cast %get3A_27 : vector<16xi32> to vector<16xi32>
    %shift_left3A = arith.constant 17 : i32
    %shift_left3A_29 = vector.broadcast %shift_left3A : i32 to vector<16xi32>
    %shift_left3A_30 = arith.shli %get3A_28, %shift_left3A_29 : vector<16xi32>
    %shift_left3A_31 = arith.constant 7 : i32
    %shift_left3A_32 = vector.broadcast %shift_left3A_31 : i32 to vector<16xi32>
    %shift_left3A_33 = arith.shli %get3A_22, %shift_left3A_32 : vector<16xi32>
    %add3A_34 = arith.addi %shift_left3A_30, %shift_left3A_33 : vector<16xi32>
    %shift_right_arithmetic3A = arith.constant 3 : i32
    %shift_right_arithmetic3A_35 = vector.broadcast %shift_right_arithmetic3A : i32 to vector<16xi32>
    %shift_right_arithmetic3A_36 = arith.shrsi %get3A_22, %shift_right_arithmetic3A_35 : vector<16xi32>
    %shift_left3A_37 = arith.constant 10 : i32
    %shift_left3A_38 = vector.broadcast %shift_left3A_37 : i32 to vector<16xi32>
    %shift_left3A_39 = arith.shli %shift_right_arithmetic3A_36, %shift_left3A_38 : vector<16xi32>
    %add3A_40 = arith.addi %add3A_34, %shift_left3A_39 : vector<16xi32>
    %add3A_41 = arith.addi %add3A_40, %get3A_25 : vector<16xi32>
    %shift_right_arithmetic3A_42 = arith.constant 7 : i32
    %shift_right_arithmetic3A_43 = vector.broadcast %shift_right_arithmetic3A_42 : i32 to vector<16xi32>
    %shift_right_arithmetic3A_44 = arith.shrsi %get3A_25, %shift_right_arithmetic3A_43 : vector<16xi32>
    %mul3A_45 = arith.constant 896 : i32
    %mul3A_46 = vector.broadcast %mul3A_45 : i32 to vector<16xi32>
    %mul3A_47 = arith.muli %shift_right_arithmetic3A_44, %mul3A_46 : vector<16xi32>
    %add3A_48 = arith.addi %add3A_41, %mul3A_47 : vector<16xi32>
    %swap3A = arith.constant 0 : index
    %swap3A_49 = tpu.vector_load %arg9[%swap3A] {strides = array<i32>} : memref<256xi32, #tpu.memory_space<vmem>>, vector<16xi32>,
    %swap3A_50 = vector.shape_cast %swap3A_49 : vector<16xi32> to vector<16xi32>
    %swap3A_51 = vector.shape_cast %add3A_48 : vector<16xi32> to vector<16xi32>
    tpu.vector_store %arg9[%swap3A], %swap3A_51 {strides = array<i32>} : memref<256xi32, #tpu.memory_space<vmem>>, vector<16xi32>,
    %get3A_52 = arith.constant 16 : index
    %get3A_53 = tpu.vector_load %arg8[%get3A_52] {strides = array<i32>} : memref<512xi32, #tpu.memory_space<vmem>>, vector<16xi32>,
    %get3A_54 = vector.shape_cast %get3A_53 : vector<16xi32> to vector<16xi32>
    %get3A_55 = arith.constant 16 : index
    %get3A_56 = tpu.vector_load %arg9[%get3A_55] {strides = array<i32>} : memref<256xi32, #tpu.memory_space<vmem>>, vector<16xi32>,
    %get3A_57 = vector.shape_cast %get3A_56 : vector<16xi32> to vector<16xi32>
    %get3A_58 = arith.constant 16 : index
    %get3A_59 = tpu.vector_load %arg7[%get3A_58] {strides = array<i32>} : memref<512xi32, #tpu.memory_space<vmem>>, vector<16xi32>,
    %get3A_60 = vector.shape_cast %get3A_59 : vector<16xi32> to vector<16xi32>
    %shift_left3A_61 = arith.constant 17 : i32
    %shift_left3A_62 = vector.broadcast %shift_left3A_61 : i32 to vector<16xi32>
    %shift_left3A_63 = arith.shli %get3A_60, %shift_left3A_62 : vector<16xi32>
    %shift_left3A_64 = arith.constant 7 : i32
    %shift_left3A_65 = vector.broadcast %shift_left3A_64 : i32 to vector<16xi32>
    %shift_left3A_66 = arith.shli %get3A_54, %shift_left3A_65 : vector<16xi32>
    %add3A_67 = arith.addi %shift_left3A_63, %shift_left3A_66 : vector<16xi32>
    %shift_right_arithmetic3A_68 = arith.constant 3 : i32
    %shift_right_arithmetic3A_69 = vector.broadcast %shift_right_arithmetic3A_68 : i32 to vector<16xi32>
    %shift_right_arithmetic3A_70 = arith.shrsi %get3A_54, %shift_right_arithmetic3A_69 : vector<16xi32>
    %shift_left3A_71 = arith.constant 10 : i32
    %shift_left3A_72 = vector.broadcast %shift_left3A_71 : i32 to vector<16xi32>
    %shift_left3A_73 = arith.shli %shift_right_arithmetic3A_70, %shift_left3A_72 : vector<16xi32>
    %add3A_74 = arith.addi %add3A_67, %shift_left3A_73 : vector<16xi32>
    %add3A_75 = arith.addi %add3A_74, %get3A_57 : vector<16xi32>
    %shift_right_arithmetic3A_76 = arith.constant 7 : i32
    %shift_right_arithmetic3A_77 = vector.broadcast %shift_right_arithmetic3A_76 : i32 to vector<16xi32>
    %shift_right_arithmetic3A_78 = arith.shrsi %get3A_57, %shift_right_arithmetic3A_77 : vector<16xi32>
    %mul3A_79 = arith.constant 896 : i32
    %mul3A_80 = vector.broadcast %mul3A_79 : i32 to vector<16xi32>
    %mul3A_81 = arith.muli %shift_right_arithmetic3A_78, %mul3A_80 : vector<16xi32>
    %add3A_82 = arith.addi %add3A_75, %mul3A_81 : vector<16xi32>
    %swap3A_83 = arith.constant 16 : index
    %swap3A_84 = tpu.vector_load %arg9[%swap3A_83] {strides = array<i32>} : memref<256xi32, #tpu.memory_space<vmem>>, vector<16xi32>,
    %swap3A_85 = vector.shape_cast %swap3A_84 : vector<16xi32> to vector<16xi32>
    %swap3A_86 = vector.shape_cast %add3A_82 : vector<16xi32> to vector<16xi32>
    tpu.vector_store %arg9[%swap3A_83], %swap3A_86 {strides = array<i32>} : memref<256xi32, #tpu.memory_space<vmem>>, vector<16xi32>,
    %get3A_87 = arith.constant 32 : index
    %get3A_88 = tpu.vector_load %arg8[%get3A_87] {strides = array<i32>} : memref<512xi32, #tpu.memory_space<vmem>>, vector<16xi32>,
    %get3A_89 = vector.shape_cast %get3A_88 : vector<16xi32> to vector<16xi32>
    %get3A_90 = arith.constant 32 : index
    %get3A_91 = tpu.vector_load %arg9[%get3A_90] {strides = array<i32>} : memref<256xi32, #tpu.memory_space<vmem>>, vector<16xi32>,
    %get3A_92 = vector.shape_cast %get3A_91 : vector<16xi32> to vector<16xi32>
    %get3A_93 = arith.constant 32 : index
    %get3A_94 = tpu.vector_load %arg7[%get3A_93] {strides = array<i32>} : memref<512xi32, #tpu.memory_space<vmem>>, vector<16xi32>,
    %get3A_95 = vector.shape_cast %get3A_94 : vector<16xi32> to vector<16xi32>
    %shift_left3A_96 = arith.constant 17 : i32
    %shift_left3A_97 = vector.broadcast %shift_left3A_96 : i32 to vector<16xi32>
    %shift_left3A_98 = arith.shli %get3A_95, %shift_left3A_97 : vector<16xi32>
    %shift_left3A_99 = arith.constant 7 : i32
    %shift_left3A_100 = vector.broadcast %shift_left3A_99 : i32 to vector<16xi32>
    %shift_left3A_101 = arith.shli %get3A_89, %shift_left3A_100 : vector<16xi32>
    %add3A_102 = arith.addi %shift_left3A_98, %shift_left3A_101 : vector<16xi32>
    %shift_right_arithmetic3A_103 = arith.constant 3 : i32
    %shift_right_arithmetic3A_104 = vector.broadcast %shift_right_arithmetic3A_103 : i32 to vector<16xi32>
    %shift_right_arithmetic3A_105 = arith.shrsi %get3A_89, %shift_right_arithmetic3A_104 : vector<16xi32>
    %shift_left3A_106 = arith.constant 10 : i32
    %shift_left3A_107 = vector.broadcast %shift_left3A_106 : i32 to vector<16xi32>
    %shift_left3A_108 = arith.shli %shift_right_arithmetic3A_105, %shift_left3A_107 : vector<16xi32>
    %add3A_109 = arith.addi %add3A_102, %shift_left3A_108 : vector<16xi32>
    %add3A_110 = arith.addi %add3A_109, %get3A_92 : vector<16xi32>
    %shift_right_arithmetic3A_111 = arith.constant 7 : i32
    %shift_right_arithmetic3A_112 = vector.broadcast %shift_right_arithmetic3A_111 : i32 to vector<16xi32>
    %shift_right_arithmetic3A_113 = arith.shrsi %get3A_92, %shift_right_arithmetic3A_112 : vector<16xi32>
    %mul3A_114 = arith.constant 896 : i32
    %mul3A_115 = vector.broadcast %mul3A_114 : i32 to vector<16xi32>
    %mul3A_116 = arith.muli %shift_right_arithmetic3A_113, %mul3A_115 : vector<16xi32>
    %add3A_117 = arith.addi %add3A_110, %mul3A_116 : vector<16xi32>
    %swap3A_118 = arith.constant 32 : index
    %swap3A_119 = tpu.vector_load %arg9[%swap3A_118] {strides = array<i32>} : memref<256xi32, #tpu.memory_space<vmem>>, vector<16xi32>,
    %swap3A_120 = vector.shape_cast %swap3A_119 : vector<16xi32> to vector<16xi32>
    %swap3A_121 = vector.shape_cast %add3A_117 : vector<16xi32> to vector<16xi32>
    tpu.vector_store %arg9[%swap3A_118], %swap3A_121 {strides = array<i32>} : memref<256xi32, #tpu.memory_space<vmem>>, vector<16xi32>,
    %get3A_122 = arith.constant 48 : index
    %get3A_123 = tpu.vector_load %arg8[%get3A_122] {strides = array<i32>} : memref<512xi32, #tpu.memory_space<vmem>>, vector<16xi32>,
    %get3A_124 = vector.shape_cast %get3A_123 : vector<16xi32> to vector<16xi32>
    %get3A_125 = arith.constant 48 : index
    %get3A_126 = tpu.vector_load %arg9[%get3A_125] {strides = array<i32>} : memref<256xi32, #tpu.memory_space<vmem>>, vector<16xi32>,
    %get3A_127 = vector.shape_cast %get3A_126 : vector<16xi32> to vector<16xi32>
    %get3A_128 = arith.constant 48 : index
    %get3A_129 = tpu.vector_load %arg7[%get3A_128] {strides = array<i32>} : memref<512xi32, #tpu.memory_space<vmem>>, vector<16xi32>,
    %get3A_130 = vector.shape_cast %get3A_129 : vector<16xi32> to vector<16xi32>
    %shift_left3A_131 = arith.constant 17 : i32
    %shift_left3A_132 = vector.broadcast %shift_left3A_131 : i32 to vector<16xi32>
    %shift_left3A_133 = arith.shli %get3A_130, %shift_left3A_132 : vector<16xi32>
    %shift_left3A_134 = arith.constant 7 : i32
    %shift_left3A_135 = vector.broadcast %shift_left3A_134 : i32 to vector<16xi32>
    %shift_left3A_136 = arith.shli %get3A_124, %shift_left3A_135 : vector<16xi32>
    %add3A_137 = arith.addi %shift_left3A_133, %shift_left3A_136 : vector<16xi32>
    %shift_right_arithmetic3A_138 = arith.constant 3 : i32
    %shift_right_arithmetic3A_139 = vector.broadcast %shift_right_arithmetic3A_138 : i32 to vector<16xi32>
    %shift_right_arithmetic3A_140 = arith.shrsi %get3A_124, %shift_right_arithmetic3A_139 : vector<16xi32>
    %shift_left3A_141 = arith.constant 10 : i32
    %shift_left3A_142 = vector.broadcast %shift_left3A_141 : i32 to vector<16xi32>
    %shift_left3A_143 = arith.shli %shift_right_arithmetic3A_140, %shift_left3A_142 : vector<16xi32>
    %add3A_144 = arith.addi %add3A_137, %shift_left3A_143 : vector<16xi32>
    %add3A_145 = arith.addi %add3A_144, %get3A_127 : vector<16xi32>
    %shift_right_arithmetic3A_146 = arith.constant 7 : i32
    %shift_right_arithmetic3A_147 = vector.broadcast %shift_right_arithmetic3A_146 : i32 to vector<16xi32>
    %shift_right_arithmetic3A_148 = arith.shrsi %get3A_127, %shift_right_arithmetic3A_147 : vector<16xi32>
    %mul3A_149 = arith.constant 896 : i32
    %mul3A_150 = vector.broadcast %mul3A_149 : i32 to vector<16xi32>
    %mul3A_151 = arith.muli %shift_right_arithmetic3A_148, %mul3A_150 : vector<16xi32>
    %add3A_152 = arith.addi %add3A_145, %mul3A_151 : vector<16xi32>
    %swap3A_153 = arith.constant 48 : index
    %swap3A_154 = tpu.vector_load %arg9[%swap3A_153] {strides = array<i32>} : memref<256xi32, #tpu.memory_space<vmem>>, vector<16xi32>,
    %swap3A_155 = vector.shape_cast %swap3A_154 : vector<16xi32> to vector<16xi32>
    %swap3A_156 = vector.shape_cast %add3A_152 : vector<16xi32> to vector<16xi32>
    tpu.vector_store %arg9[%swap3A_153], %swap3A_156 {strides = array<i32>} : memref<256xi32, #tpu.memory_space<vmem>>, vector<16xi32>,
    %get3A_157 = arith.constant 64 : index
    %get3A_158 = tpu.vector_load %arg8[%get3A_157] {strides = array<i32>} : memref<512xi32, #tpu.memory_space<vmem>>, vector<16xi32>,
    %get3A_159 = vector.shape_cast %get3A_158 : vector<16xi32> to vector<16xi32>
    %get3A_160 = arith.constant 64 : index
    %get3A_161 = tpu.vector_load %arg9[%get3A_160] {strides = array<i32>} : memref<256xi32, #tpu.memory_space<vmem>>, vector<16xi32>,
    %get3A_162 = vector.shape_cast %get3A_161 : vector<16xi32> to vector<16xi32>
    %get3A_163 = arith.constant 64 : index
    %get3A_164 = tpu.vector_load %arg7[%get3A_163] {strides = array<i32>} : memref<512xi32, #tpu.memory_space<vmem>>, vector<16xi32>,
    %get3A_165 = vector.shape_cast %get3A_164 : vector<16xi32> to vector<16xi32>
    %shift_left3A_166 = arith.constant 17 : i32
    %shift_left3A_167 = vector.broadcast %shift_left3A_166 : i32 to vector<16xi32>
    %shift_left3A_168 = arith.shli %get3A_165, %shift_left3A_167 : vector<16xi32>
    %shift_left3A_169 = arith.constant 7 : i32
    %shift_left3A_170 = vector.broadcast %shift_left3A_169 : i32 to vector<16xi32>
    %shift_left3A_171 = arith.shli %get3A_159, %shift_left3A_170 : vector<16xi32>
    %add3A_172 = arith.addi %shift_left3A_168, %shift_left3A_171 : vector<16xi32>
    %shift_right_arithmetic3A_173 = arith.constant 3 : i32
    %shift_right_arithmetic3A_174 = vector.broadcast %shift_right_arithmetic3A_173 : i32 to vector<16xi32>
    %shift_right_arithmetic3A_175 = arith.shrsi %get3A_159, %shift_right_arithmetic3A_174 : vector<16xi32>
    %shift_left3A_176 = arith.constant 10 : i32
    %shift_left3A_177 = vector.broadcast %shift_left3A_176 : i32 to vector<16xi32>
    %shift_left3A_178 = arith.shli %shift_right_arithmetic3A_175, %shift_left3A_177 : vector<16xi32>
    %add3A_179 = arith.addi %add3A_172, %shift_left3A_178 : vector<16xi32>
    %add3A_180 = arith.addi %add3A_179, %get3A_162 : vector<16xi32>
    %shift_right_arithmetic3A_181 = arith.constant 7 : i32
    %shift_right_arithmetic3A_182 = vector.broadcast %shift_right_arithmetic3A_181 : i32 to vector<16xi32>
    %shift_right_arithmetic3A_183 = arith.shrsi %get3A_162, %shift_right_arithmetic3A_182 : vector<16xi32>
    %mul3A_184 = arith.constant 896 : i32
    %mul3A_185 = vector.broadcast %mul3A_184 : i32 to vector<16xi32>
    %mul3A_186 = arith.muli %shift_right_arithmetic3A_183, %mul3A_185 : vector<16xi32>
    %add3A_187 = arith.addi %add3A_180, %mul3A_186 : vector<16xi32>
    %swap3A_188 = arith.constant 64 : index
    %swap3A_189 = tpu.vector_load %arg9[%swap3A_188] {strides = array<i32>} : memref<256xi32, #tpu.memory_space<vmem>>, vector<16xi32>,
    %swap3A_190 = vector.shape_cast %swap3A_189 : vector<16xi32> to vector<16xi32>
    %swap3A_191 = vector.shape_cast %add3A_187 : vector<16xi32> to vector<16xi32>
    tpu.vector_store %arg9[%swap3A_188], %swap3A_191 {strides = array<i32>} : memref<256xi32, #tpu.memory_space<vmem>>, vector<16xi32>,
    %get3A_192 = arith.constant 80 : index
    %get3A_193 = tpu.vector_load %arg8[%get3A_192] {strides = array<i32>} : memref<512xi32, #tpu.memory_space<vmem>>, vector<16xi32>,
    %get3A_194 = vector.shape_cast %get3A_193 : vector<16xi32> to vector<16xi32>
    %get3A_195 = arith.constant 80 : index
    %get3A_196 = tpu.vector_load %arg9[%get3A_195] {strides = array<i32>} : memref<256xi32, #tpu.memory_space<vmem>>, vector<16xi32>,
    %get3A_197 = vector.shape_cast %get3A_196 : vector<16xi32> to vector<16xi32>
    %get3A_198 = arith.constant 80 : index
    %get3A_199 = tpu.vector_load %arg7[%get3A_198] {strides = array<i32>} : memref<512xi32, #tpu.memory_space<vmem>>, vector<16xi32>,
    %get3A_200 = vector.shape_cast %get3A_199 : vector<16xi32> to vector<16xi32>
    %shift_left3A_201 = arith.constant 17 : i32
    %shift_left3A_202 = vector.broadcast %shift_left3A_201 : i32 to vector<16xi32>
    %shift_left3A_203 = arith.shli %get3A_200, %shift_left3A_202 : vector<16xi32>
    %shift_left3A_204 = arith.constant 7 : i32
    %shift_left3A_205 = vector.broadcast %shift_left3A_204 : i32 to vector<16xi32>
    %shift_left3A_206 = arith.shli %get3A_194, %shift_left3A_205 : vector<16xi32>
    %add3A_207 = arith.addi %shift_left3A_203, %shift_left3A_206 : vector<16xi32>
    %shift_right_arithmetic3A_208 = arith.constant 3 : i32
    %shift_right_arithmetic3A_209 = vector.broadcast %shift_right_arithmetic3A_208 : i32 to vector<16xi32>
    %shift_right_arithmetic3A_210 = arith.shrsi %get3A_194, %shift_right_arithmetic3A_209 : vector<16xi32>
    %shift_left3A_211 = arith.constant 10 : i32
    %shift_left3A_212 = vector.broadcast %shift_left3A_211 : i32 to vector<16xi32>
    %shift_left3A_213 = arith.shli %shift_right_arithmetic3A_210, %shift_left3A_212 : vector<16xi32>
    %add3A_214 = arith.addi %add3A_207, %shift_left3A_213 : vector<16xi32>
    %add3A_215 = arith.addi %add3A_214, %get3A_197 : vector<16xi32>
    %shift_right_arithmetic3A_216 = arith.constant 7 : i32
    %shift_right_arithmetic3A_217 = vector.broadcast %shift_right_arithmetic3A_216 : i32 to vector<16xi32>
    %shift_right_arithmetic3A_218 = arith.shrsi %get3A_197, %shift_right_arithmetic3A_217 : vector<16xi32>
    %mul3A_219 = arith.constant 896 : i32
    %mul3A_220 = vector.broadcast %mul3A_219 : i32 to vector<16xi32>
    %mul3A_221 = arith.muli %shift_right_arithmetic3A_218, %mul3A_220 : vector<16xi32>
    %add3A_222 = arith.addi %add3A_215, %mul3A_221 : vector<16xi32>
    %swap3A_223 = arith.constant 80 : index
    %swap3A_224 = tpu.vector_load %arg9[%swap3A_223] {strides = array<i32>} : memref<256xi32, #tpu.memory_space<vmem>>, vector<16xi32>,
    %swap3A_225 = vector.shape_cast %swap3A_224 : vector<16xi32> to vector<16xi32>
    %swap3A_226 = vector.shape_cast %add3A_222 : vector<16xi32> to vector<16xi32>
    tpu.vector_store %arg9[%swap3A_223], %swap3A_226 {strides = array<i32>} : memref<256xi32, #tpu.memory_space<vmem>>, vector<16xi32>,
    %get3A_227 = arith.constant 96 : index
    %get3A_228 = tpu.vector_load %arg8[%get3A_227] {strides = array<i32>} : memref<512xi32, #tpu.memory_space<vmem>>, vector<16xi32>,
    %get3A_229 = vector.shape_cast %get3A_228 : vector<16xi32> to vector<16xi32>
    %get3A_230 = arith.constant 96 : index
    %get3A_231 = tpu.vector_load %arg9[%get3A_230] {strides = array<i32>} : memref<256xi32, #tpu.memory_space<vmem>>, vector<16xi32>,
    %get3A_232 = vector.shape_cast %get3A_231 : vector<16xi32> to vector<16xi32>
    %get3A_233 = arith.constant 96 : index
    %get3A_234 = tpu.vector_load %arg7[%get3A_233] {strides = array<i32>} : memref<512xi32, #tpu.memory_space<vmem>>, vector<16xi32>,
    %get3A_235 = vector.shape_cast %get3A_234 : vector<16xi32> to vector<16xi32>
    %shift_left3A_236 = arith.constant 17 : i32
    %shift_left3A_237 = vector.broadcast %shift_left3A_236 : i32 to vector<16xi32>
    %shift_left3A_238 = arith.shli %get3A_235, %shift_left3A_237 : vector<16xi32>
    %shift_left3A_239 = arith.constant 7 : i32
    %shift_left3A_240 = vector.broadcast %shift_left3A_239 : i32 to vector<16xi32>
    %shift_left3A_241 = arith.shli %get3A_229, %shift_left3A_240 : vector<16xi32>
    %add3A_242 = arith.addi %shift_left3A_238, %shift_left3A_241 : vector<16xi32>
    %shift_right_arithmetic3A_243 = arith.constant 3 : i32
    %shift_right_arithmetic3A_244 = vector.broadcast %shift_right_arithmetic3A_243 : i32 to vector<16xi32>
    %shift_right_arithmetic3A_245 = arith.shrsi %get3A_229, %shift_right_arithmetic3A_244 : vector<16xi32>
    %shift_left3A_246 = arith.constant 10 : i32
    %shift_left3A_247 = vector.broadcast %shift_left3A_246 : i32 to vector<16xi32>
    %shift_left3A_248 = arith.shli %shift_right_arithmetic3A_245, %shift_left3A_247 : vector<16xi32>
    %add3A_249 = arith.addi %add3A_242, %shift_left3A_248 : vector<16xi32>
    %add3A_250 = arith.addi %add3A_249, %get3A_232 : vector<16xi32>
    %shift_right_arithmetic3A_251 = arith.constant 7 : i32
    %shift_right_arithmetic3A_252 = vector.broadcast %shift_right_arithmetic3A_251 : i32 to vector<16xi32>
    %shift_right_arithmetic3A_253 = arith.shrsi %get3A_232, %shift_right_arithmetic3A_252 : vector<16xi32>
    %mul3A_254 = arith.constant 896 : i32
    %mul3A_255 = vector.broadcast %mul3A_254 : i32 to vector<16xi32>
    %mul3A_256 = arith.muli %shift_right_arithmetic3A_253, %mul3A_255 : vector<16xi32>
    %add3A_257 = arith.addi %add3A_250, %mul3A_256 : vector<16xi32>
    %swap3A_258 = arith.constant 96 : index
    %swap3A_259 = tpu.vector_load %arg9[%swap3A_258] {strides = array<i32>} : memref<256xi32, #tpu.memory_space<vmem>>, vector<16xi32>,
    %swap3A_260 = vector.shape_cast %swap3A_259 : vector<16xi32> to vector<16xi32>
    %swap3A_261 = vector.shape_cast %add3A_257 : vector<16xi32> to vector<16xi32>
    tpu.vector_store %arg9[%swap3A_258], %swap3A_261 {strides = array<i32>} : memref<256xi32, #tpu.memory_space<vmem>>, vector<16xi32>,
    %get3A_262 = arith.constant 112 : index
    %get3A_263 = tpu.vector_load %arg8[%get3A_262] {strides = array<i32>} : memref<512xi32, #tpu.memory_space<vmem>>, vector<16xi32>,
    %get3A_264 = vector.shape_cast %get3A_263 : vector<16xi32> to vector<16xi32>
    %get3A_265 = arith.constant 112 : index
    %get3A_266 = tpu.vector_load %arg9[%get3A_265] {strides = array<i32>} : memref<256xi32, #tpu.memory_space<vmem>>, vector<16xi32>,
    %get3A_267 = vector.shape_cast %get3A_266 : vector<16xi32> to vector<16xi32>
    %get3A_268 = arith.constant 112 : index
    %get3A_269 = tpu.vector_load %arg7[%get3A_268] {strides = array<i32>} : memref<512xi32, #tpu.memory_space<vmem>>, vector<16xi32>,
    %get3A_270 = vector.shape_cast %get3A_269 : vector<16xi32> to vector<16xi32>
    %shift_left3A_271 = arith.constant 17 : i32
    %shift_left3A_272 = vector.broadcast %shift_left3A_271 : i32 to vector<16xi32>
    %shift_left3A_273 = arith.shli %get3A_270, %shift_left3A_272 : vector<16xi32>
    %shift_left3A_274 = arith.constant 7 : i32
    %shift_left3A_275 = vector.broadcast %shift_left3A_274 : i32 to vector<16xi32>
    %shift_left3A_276 = arith.shli %get3A_264, %shift_left3A_275 : vector<16xi32>
    %add3A_277 = arith.addi %shift_left3A_273, %shift_left3A_276 : vector<16xi32>
    %shift_right_arithmetic3A_278 = arith.constant 3 : i32
    %shift_right_arithmetic3A_279 = vector.broadcast %shift_right_arithmetic3A_278 : i32 to vector<16xi32>
    %shift_right_arithmetic3A_280 = arith.shrsi %get3A_264, %shift_right_arithmetic3A_279 : vector<16xi32>
    %shift_left3A_281 = arith.constant 10 : i32
    %shift_left3A_282 = vector.broadcast %shift_left3A_281 : i32 to vector<16xi32>
    %shift_left3A_283 = arith.shli %shift_right_arithmetic3A_280, %shift_left3A_282 : vector<16xi32>
    %add3A_284 = arith.addi %add3A_277, %shift_left3A_283 : vector<16xi32>
    %add3A_285 = arith.addi %add3A_284, %get3A_267 : vector<16xi32>
    %shift_right_arithmetic3A_286 = arith.constant 7 : i32
    %shift_right_arithmetic3A_287 = vector.broadcast %shift_right_arithmetic3A_286 : i32 to vector<16xi32>
    %shift_right_arithmetic3A_288 = arith.shrsi %get3A_267, %shift_right_arithmetic3A_287 : vector<16xi32>
    %mul3A_289 = arith.constant 896 : i32
    %mul3A_290 = vector.broadcast %mul3A_289 : i32 to vector<16xi32>
    %mul3A_291 = arith.muli %shift_right_arithmetic3A_288, %mul3A_290 : vector<16xi32>
    %add3A_292 = arith.addi %add3A_285, %mul3A_291 : vector<16xi32>
    %swap3A_293 = arith.constant 112 : index
    %swap3A_294 = tpu.vector_load %arg9[%swap3A_293] {strides = array<i32>} : memref<256xi32, #tpu.memory_space<vmem>>, vector<16xi32>,
    %swap3A_295 = vector.shape_cast %swap3A_294 : vector<16xi32> to vector<16xi32>
    %swap3A_296 = vector.shape_cast %add3A_292 : vector<16xi32> to vector<16xi32>
    tpu.vector_store %arg9[%swap3A_293], %swap3A_296 {strides = array<i32>} : memref<256xi32, #tpu.memory_space<vmem>>, vector<16xi32>,
    %get3A_297 = arith.constant 128 : index
    %get3A_298 = tpu.vector_load %arg8[%get3A_297] {strides = array<i32>} : memref<512xi32, #tpu.memory_space<vmem>>, vector<16xi32>,
    %get3A_299 = vector.shape_cast %get3A_298 : vector<16xi32> to vector<16xi32>
    %get3A_300 = arith.constant 128 : index
    %get3A_301 = tpu.vector_load %arg9[%get3A_300] {strides = array<i32>} : memref<256xi32, #tpu.memory_space<vmem>>, vector<16xi32>,
    %get3A_302 = vector.shape_cast %get3A_301 : vector<16xi32> to vector<16xi32>
    %get3A_303 = arith.constant 128 : index
    %get3A_304 = tpu.vector_load %arg7[%get3A_303] {strides = array<i32>} : memref<512xi32, #tpu.memory_space<vmem>>, vector<16xi32>,
    %get3A_305 = vector.shape_cast %get3A_304 : vector<16xi32> to vector<16xi32>
    %shift_left3A_306 = arith.constant 17 : i32
    %shift_left3A_307 = vector.broadcast %shift_left3A_306 : i32 to vector<16xi32>
    %shift_left3A_308 = arith.shli %get3A_305, %shift_left3A_307 : vector<16xi32>
    %shift_left3A_309 = arith.constant 7 : i32
    %shift_left3A_310 = vector.broadcast %shift_left3A_309 : i32 to vector<16xi32>
    %shift_left3A_311 = arith.shli %get3A_299, %shift_left3A_310 : vector<16xi32>
    %add3A_312 = arith.addi %shift_left3A_308, %shift_left3A_311 : vector<16xi32>
    %shift_right_arithmetic3A_313 = arith.constant 3 : i32
    %shift_right_arithmetic3A_314 = vector.broadcast %shift_right_arithmetic3A_313 : i32 to vector<16xi32>
    %shift_right_arithmetic3A_315 = arith.shrsi %get3A_299, %shift_right_arithmetic3A_314 : vector<16xi32>
    %shift_left3A_316 = arith.constant 10 : i32
    %shift_left3A_317 = vector.broadcast %shift_left3A_316 : i32 to vector<16xi32>
    %shift_left3A_318 = arith.shli %shift_right_arithmetic3A_315, %shift_left3A_317 : vector<16xi32>
    %add3A_319 = arith.addi %add3A_312, %shift_left3A_318 : vector<16xi32>
    %add3A_320 = arith.addi %add3A_319, %get3A_302 : vector<16xi32>
    %shift_right_arithmetic3A_321 = arith.constant 7 : i32
    %shift_right_arithmetic3A_322 = vector.broadcast %shift_right_arithmetic3A_321 : i32 to vector<16xi32>
    %shift_right_arithmetic3A_323 = arith.shrsi %get3A_302, %shift_right_arithmetic3A_322 : vector<16xi32>
    %mul3A_324 = arith.constant 896 : i32
    %mul3A_325 = vector.broadcast %mul3A_324 : i32 to vector<16xi32>
    %mul3A_326 = arith.muli %shift_right_arithmetic3A_323, %mul3A_325 : vector<16xi32>
    %add3A_327 = arith.addi %add3A_320, %mul3A_326 : vector<16xi32>
    %swap3A_328 = arith.constant 128 : index
    %swap3A_329 = tpu.vector_load %arg9[%swap3A_328] {strides = array<i32>} : memref<256xi32, #tpu.memory_space<vmem>>, vector<16xi32>,
    %swap3A_330 = vector.shape_cast %swap3A_329 : vector<16xi32> to vector<16xi32>
    %swap3A_331 = vector.shape_cast %add3A_327 : vector<16xi32> to vector<16xi32>
    tpu.vector_store %arg9[%swap3A_328], %swap3A_331 {strides = array<i32>} : memref<256xi32, #tpu.memory_space<vmem>>, vector<16xi32>,
    %get3A_332 = arith.constant 144 : index
    %get3A_333 = tpu.vector_load %arg8[%get3A_332] {strides = array<i32>} : memref<512xi32, #tpu.memory_space<vmem>>, vector<16xi32>,
    %get3A_334 = vector.shape_cast %get3A_333 : vector<16xi32> to vector<16xi32>
    %get3A_335 = arith.constant 144 : index
    %get3A_336 = tpu.vector_load %arg9[%get3A_335] {strides = array<i32>} : memref<256xi32, #tpu.memory_space<vmem>>, vector<16xi32>,
    %get3A_337 = vector.shape_cast %get3A_336 : vector<16xi32> to vector<16xi32>
    %get3A_338 = arith.constant 144 : index
    %get3A_339 = tpu.vector_load %arg7[%get3A_338] {strides = array<i32>} : memref<512xi32, #tpu.memory_space<vmem>>, vector<16xi32>,
    %get3A_340 = vector.shape_cast %get3A_339 : vector<16xi32> to vector<16xi32>
    %shift_left3A_341 = arith.constant 17 : i32
    %shift_left3A_342 = vector.broadcast %shift_left3A_341 : i32 to vector<16xi32>
    %shift_left3A_343 = arith.shli %get3A_340, %shift_left3A_342 : vector<16xi32>
    %shift_left3A_344 = arith.constant 7 : i32
    %shift_left3A_345 = vector.broadcast %shift_left3A_344 : i32 to vector<16xi32>
    %shift_left3A_346 = arith.shli %get3A_334, %shift_left3A_345 : vector<16xi32>
    %add3A_347 = arith.addi %shift_left3A_343, %shift_left3A_346 : vector<16xi32>
    %shift_right_arithmetic3A_348 = arith.constant 3 : i32
    %shift_right_arithmetic3A_349 = vector.broadcast %shift_right_arithmetic3A_348 : i32 to vector<16xi32>
    %shift_right_arithmetic3A_350 = arith.shrsi %get3A_334, %shift_right_arithmetic3A_349 : vector<16xi32>
    %shift_left3A_351 = arith.constant 10 : i32
    %shift_left3A_352 = vector.broadcast %shift_left3A_351 : i32 to vector<16xi32>
    %shift_left3A_353 = arith.shli %shift_right_arithmetic3A_350, %shift_left3A_352 : vector<16xi32>
    %add3A_354 = arith.addi %add3A_347, %shift_left3A_353 : vector<16xi32>
    %add3A_355 = arith.addi %add3A_354, %get3A_337 : vector<16xi32>
    %shift_right_arithmetic3A_356 = arith.constant 7 : i32
    %shift_right_arithmetic3A_357 = vector.broadcast %shift_right_arithmetic3A_356 : i32 to vector<16xi32>
    %shift_right_arithmetic3A_358 = arith.shrsi %get3A_337, %shift_right_arithmetic3A_357 : vector<16xi32>
    %mul3A_359 = arith.constant 896 : i32
    %mul3A_360 = vector.broadcast %mul3A_359 : i32 to vector<16xi32>
    %mul3A_361 = arith.muli %shift_right_arithmetic3A_358, %mul3A_360 : vector<16xi32>
    %add3A_362 = arith.addi %add3A_355, %mul3A_361 : vector<16xi32>
    %swap3A_363 = arith.constant 144 : index
    %swap3A_364 = tpu.vector_load %arg9[%swap3A_363] {strides = array<i32>} : memref<256xi32, #tpu.memory_space<vmem>>, vector<16xi32>,
    %swap3A_365 = vector.shape_cast %swap3A_364 : vector<16xi32> to vector<16xi32>
    %swap3A_366 = vector.shape_cast %add3A_362 : vector<16xi32> to vector<16xi32>
    tpu.vector_store %arg9[%swap3A_363], %swap3A_366 {strides = array<i32>} : memref<256xi32, #tpu.memory_space<vmem>>, vector<16xi32>,
    %get3A_367 = arith.constant 160 : index
    %get3A_368 = tpu.vector_load %arg8[%get3A_367] {strides = array<i32>} : memref<512xi32, #tpu.memory_space<vmem>>, vector<16xi32>,
    %get3A_369 = vector.shape_cast %get3A_368 : vector<16xi32> to vector<16xi32>
    %get3A_370 = arith.constant 160 : index
    %get3A_371 = tpu.vector_load %arg9[%get3A_370] {strides = array<i32>} : memref<256xi32, #tpu.memory_space<vmem>>, vector<16xi32>,
    %get3A_372 = vector.shape_cast %get3A_371 : vector<16xi32> to vector<16xi32>
    %get3A_373 = arith.constant 160 : index
    %get3A_374 = tpu.vector_load %arg7[%get3A_373] {strides = array<i32>} : memref<512xi32, #tpu.memory_space<vmem>>, vector<16xi32>,
    %get3A_375 = vector.shape_cast %get3A_374 : vector<16xi32> to vector<16xi32>
    %shift_left3A_376 = arith.constant 17 : i32
    %shift_left3A_377 = vector.broadcast %shift_left3A_376 : i32 to vector<16xi32>
    %shift_left3A_378 = arith.shli %get3A_375, %shift_left3A_377 : vector<16xi32>
    %shift_left3A_379 = arith.constant 7 : i32
    %shift_left3A_380 = vector.broadcast %shift_left3A_379 : i32 to vector<16xi32>
    %shift_left3A_381 = arith.shli %get3A_369, %shift_left3A_380 : vector<16xi32>
    %add3A_382 = arith.addi %shift_left3A_378, %shift_left3A_381 : vector<16xi32>
    %shift_right_arithmetic3A_383 = arith.constant 3 : i32
    %shift_right_arithmetic3A_384 = vector.broadcast %shift_right_arithmetic3A_383 : i32 to vector<16xi32>
    %shift_right_arithmetic3A_385 = arith.shrsi %get3A_369, %shift_right_arithmetic3A_384 : vector<16xi32>
    %shift_left3A_386 = arith.constant 10 : i32
    %shift_left3A_387 = vector.broadcast %shift_left3A_386 : i32 to vector<16xi32>
    %shift_left3A_388 = arith.shli %shift_right_arithmetic3A_385, %shift_left3A_387 : vector<16xi32>
    %add3A_389 = arith.addi %add3A_382, %shift_left3A_388 : vector<16xi32>
    %add3A_390 = arith.addi %add3A_389, %get3A_372 : vector<16xi32>
    %shift_right_arithmetic3A_391 = arith.constant 7 : i32
    %shift_right_arithmetic3A_392 = vector.broadcast %shift_right_arithmetic3A_391 : i32 to vector<16xi32>
    %shift_right_arithmetic3A_393 = arith.shrsi %get3A_372, %shift_right_arithmetic3A_392 : vector<16xi32>
    %mul3A_394 = arith.constant 896 : i32
    %mul3A_395 = vector.broadcast %mul3A_394 : i32 to vector<16xi32>
    %mul3A_396 = arith.muli %shift_right_arithmetic3A_393, %mul3A_395 : vector<16xi32>
    %add3A_397 = arith.addi %add3A_390, %mul3A_396 : vector<16xi32>
    %swap3A_398 = arith.constant 160 : index
    %swap3A_399 = tpu.vector_load %arg9[%swap3A_398] {strides = array<i32>} : memref<256xi32, #tpu.memory_space<vmem>>, vector<16xi32>,
    %swap3A_400 = vector.shape_cast %swap3A_399 : vector<16xi32> to vector<16xi32>
    %swap3A_401 = vector.shape_cast %add3A_397 : vector<16xi32> to vector<16xi32>
    tpu.vector_store %arg9[%swap3A_398], %swap3A_401 {strides = array<i32>} : memref<256xi32, #tpu.memory_space<vmem>>, vector<16xi32>,
    %get3A_402 = arith.constant 176 : index
    %get3A_403 = tpu.vector_load %arg8[%get3A_402] {strides = array<i32>} : memref<512xi32, #tpu.memory_space<vmem>>, vector<16xi32>,
    %get3A_404 = vector.shape_cast %get3A_403 : vector<16xi32> to vector<16xi32>
    %get3A_405 = arith.constant 176 : index
    %get3A_406 = tpu.vector_load %arg9[%get3A_405] {strides = array<i32>} : memref<256xi32, #tpu.memory_space<vmem>>, vector<16xi32>,
    %get3A_407 = vector.shape_cast %get3A_406 : vector<16xi32> to vector<16xi32>
    %get3A_408 = arith.constant 176 : index
    %get3A_409 = tpu.vector_load %arg7[%get3A_408] {strides = array<i32>} : memref<512xi32, #tpu.memory_space<vmem>>, vector<16xi32>,
    %get3A_410 = vector.shape_cast %get3A_409 : vector<16xi32> to vector<16xi32>
    %shift_left3A_411 = arith.constant 17 : i32
    %shift_left3A_412 = vector.broadcast %shift_left3A_411 : i32 to vector<16xi32>
    %shift_left3A_413 = arith.shli %get3A_410, %shift_left3A_412 : vector<16xi32>
    %shift_left3A_414 = arith.constant 7 : i32
    %shift_left3A_415 = vector.broadcast %shift_left3A_414 : i32 to vector<16xi32>
    %shift_left3A_416 = arith.shli %get3A_404, %shift_left3A_415 : vector<16xi32>
    %add3A_417 = arith.addi %shift_left3A_413, %shift_left3A_416 : vector<16xi32>
    %shift_right_arithmetic3A_418 = arith.constant 3 : i32
    %shift_right_arithmetic3A_419 = vector.broadcast %shift_right_arithmetic3A_418 : i32 to vector<16xi32>
    %shift_right_arithmetic3A_420 = arith.shrsi %get3A_404, %shift_right_arithmetic3A_419 : vector<16xi32>
    %shift_left3A_421 = arith.constant 10 : i32
    %shift_left3A_422 = vector.broadcast %shift_left3A_421 : i32 to vector<16xi32>
    %shift_left3A_423 = arith.shli %shift_right_arithmetic3A_420, %shift_left3A_422 : vector<16xi32>
    %add3A_424 = arith.addi %add3A_417, %shift_left3A_423 : vector<16xi32>
    %add3A_425 = arith.addi %add3A_424, %get3A_407 : vector<16xi32>
    %shift_right_arithmetic3A_426 = arith.constant 7 : i32
    %shift_right_arithmetic3A_427 = vector.broadcast %shift_right_arithmetic3A_426 : i32 to vector<16xi32>
    %shift_right_arithmetic3A_428 = arith.shrsi %get3A_407, %shift_right_arithmetic3A_427 : vector<16xi32>
    %mul3A_429 = arith.constant 896 : i32
    %mul3A_430 = vector.broadcast %mul3A_429 : i32 to vector<16xi32>
    %mul3A_431 = arith.muli %shift_right_arithmetic3A_428, %mul3A_430 : vector<16xi32>
    %add3A_432 = arith.addi %add3A_425, %mul3A_431 : vector<16xi32>
    %swap3A_433 = arith.constant 176 : index
    %swap3A_434 = tpu.vector_load %arg9[%swap3A_433] {strides = array<i32>} : memref<256xi32, #tpu.memory_space<vmem>>, vector<16xi32>,
    %swap3A_435 = vector.shape_cast %swap3A_434 : vector<16xi32> to vector<16xi32>
    %swap3A_436 = vector.shape_cast %add3A_432 : vector<16xi32> to vector<16xi32>
    tpu.vector_store %arg9[%swap3A_433], %swap3A_436 {strides = array<i32>} : memref<256xi32, #tpu.memory_space<vmem>>, vector<16xi32>,
    %get3A_437 = arith.constant 192 : index
    %get3A_438 = tpu.vector_load %arg8[%get3A_437] {strides = array<i32>} : memref<512xi32, #tpu.memory_space<vmem>>, vector<16xi32>,
    %get3A_439 = vector.shape_cast %get3A_438 : vector<16xi32> to vector<16xi32>
    %get3A_440 = arith.constant 192 : index
    %get3A_441 = tpu.vector_load %arg9[%get3A_440] {strides = array<i32>} : memref<256xi32, #tpu.memory_space<vmem>>, vector<16xi32>,
    %get3A_442 = vector.shape_cast %get3A_441 : vector<16xi32> to vector<16xi32>
    %get3A_443 = arith.constant 192 : index
    %get3A_444 = tpu.vector_load %arg7[%get3A_443] {strides = array<i32>} : memref<512xi32, #tpu.memory_space<vmem>>, vector<16xi32>,
    %get3A_445 = vector.shape_cast %get3A_444 : vector<16xi32> to vector<16xi32>
    %shift_left3A_446 = arith.constant 17 : i32
    %shift_left3A_447 = vector.broadcast %shift_left3A_446 : i32 to vector<16xi32>
    %shift_left3A_448 = arith.shli %get3A_445, %shift_left3A_447 : vector<16xi32>
    %shift_left3A_449 = arith.constant 7 : i32
    %shift_left3A_450 = vector.broadcast %shift_left3A_449 : i32 to vector<16xi32>
    %shift_left3A_451 = arith.shli %get3A_439, %shift_left3A_450 : vector<16xi32>
    %add3A_452 = arith.addi %shift_left3A_448, %shift_left3A_451 : vector<16xi32>
    %shift_right_arithmetic3A_453 = arith.constant 3 : i32
    %shift_right_arithmetic3A_454 = vector.broadcast %shift_right_arithmetic3A_453 : i32 to vector<16xi32>
    %shift_right_arithmetic3A_455 = arith.shrsi %get3A_439, %shift_right_arithmetic3A_454 : vector<16xi32>
    %shift_left3A_456 = arith.constant 10 : i32
    %shift_left3A_457 = vector.broadcast %shift_left3A_456 : i32 to vector<16xi32>
    %shift_left3A_458 = arith.shli %shift_right_arithmetic3A_455, %shift_left3A_457 : vector<16xi32>
    %add3A_459 = arith.addi %add3A_452, %shift_left3A_458 : vector<16xi32>
    %add3A_460 = arith.addi %add3A_459, %get3A_442 : vector<16xi32>
    %shift_right_arithmetic3A_461 = arith.constant 7 : i32
    %shift_right_arithmetic3A_462 = vector.broadcast %shift_right_arithmetic3A_461 : i32 to vector<16xi32>
    %shift_right_arithmetic3A_463 = arith.shrsi %get3A_442, %shift_right_arithmetic3A_462 : vector<16xi32>
    %mul3A_464 = arith.constant 896 : i32
    %mul3A_465 = vector.broadcast %mul3A_464 : i32 to vector<16xi32>
    %mul3A_466 = arith.muli %shift_right_arithmetic3A_463, %mul3A_465 : vector<16xi32>
    %add3A_467 = arith.addi %add3A_460, %mul3A_466 : vector<16xi32>
    %swap3A_468 = arith.constant 192 : index
    %swap3A_469 = tpu.vector_load %arg9[%swap3A_468] {strides = array<i32>} : memref<256xi32, #tpu.memory_space<vmem>>, vector<16xi32>,
    %swap3A_470 = vector.shape_cast %swap3A_469 : vector<16xi32> to vector<16xi32>
    %swap3A_471 = vector.shape_cast %add3A_467 : vector<16xi32> to vector<16xi32>
    tpu.vector_store %arg9[%swap3A_468], %swap3A_471 {strides = array<i32>} : memref<256xi32, #tpu.memory_space<vmem>>, vector<16xi32>,
    %get3A_472 = arith.constant 208 : index
    %get3A_473 = tpu.vector_load %arg8[%get3A_472] {strides = array<i32>} : memref<512xi32, #tpu.memory_space<vmem>>, vector<16xi32>,
    %get3A_474 = vector.shape_cast %get3A_473 : vector<16xi32> to vector<16xi32>
    %get3A_475 = arith.constant 208 : index
    %get3A_476 = tpu.vector_load %arg9[%get3A_475] {strides = array<i32>} : memref<256xi32, #tpu.memory_space<vmem>>, vector<16xi32>,
    %get3A_477 = vector.shape_cast %get3A_476 : vector<16xi32> to vector<16xi32>
    %get3A_478 = arith.constant 208 : index
    %get3A_479 = tpu.vector_load %arg7[%get3A_478] {strides = array<i32>} : memref<512xi32, #tpu.memory_space<vmem>>, vector<16xi32>,
    %get3A_480 = vector.shape_cast %get3A_479 : vector<16xi32> to vector<16xi32>
    %shift_left3A_481 = arith.constant 17 : i32
    %shift_left3A_482 = vector.broadcast %shift_left3A_481 : i32 to vector<16xi32>
    %shift_left3A_483 = arith.shli %get3A_480, %shift_left3A_482 : vector<16xi32>
    %shift_left3A_484 = arith.constant 7 : i32
    %shift_left3A_485 = vector.broadcast %shift_left3A_484 : i32 to vector<16xi32>
    %shift_left3A_486 = arith.shli %get3A_474, %shift_left3A_485 : vector<16xi32>
    %add3A_487 = arith.addi %shift_left3A_483, %shift_left3A_486 : vector<16xi32>
    %shift_right_arithmetic3A_488 = arith.constant 3 : i32
    %shift_right_arithmetic3A_489 = vector.broadcast %shift_right_arithmetic3A_488 : i32 to vector<16xi32>
    %shift_right_arithmetic3A_490 = arith.shrsi %get3A_474, %shift_right_arithmetic3A_489 : vector<16xi32>
    %shift_left3A_491 = arith.constant 10 : i32
    %shift_left3A_492 = vector.broadcast %shift_left3A_491 : i32 to vector<16xi32>
    %shift_left3A_493 = arith.shli %shift_right_arithmetic3A_490, %shift_left3A_492 : vector<16xi32>
    %add3A_494 = arith.addi %add3A_487, %shift_left3A_493 : vector<16xi32>
    %add3A_495 = arith.addi %add3A_494, %get3A_477 : vector<16xi32>
    %shift_right_arithmetic3A_496 = arith.constant 7 : i32
    %shift_right_arithmetic3A_497 = vector.broadcast %shift_right_arithmetic3A_496 : i32 to vector<16xi32>
    %shift_right_arithmetic3A_498 = arith.shrsi %get3A_477, %shift_right_arithmetic3A_497 : vector<16xi32>
    %mul3A_499 = arith.constant 896 : i32
    %mul3A_500 = vector.broadcast %mul3A_499 : i32 to vector<16xi32>
    %mul3A_501 = arith.muli %shift_right_arithmetic3A_498, %mul3A_500 : vector<16xi32>
    %add3A_502 = arith.addi %add3A_495, %mul3A_501 : vector<16xi32>
    %swap3A_503 = arith.constant 208 : index
    %swap3A_504 = tpu.vector_load %arg9[%swap3A_503] {strides = array<i32>} : memref<256xi32, #tpu.memory_space<vmem>>, vector<16xi32>,
    %swap3A_505 = vector.shape_cast %swap3A_504 : vector<16xi32> to vector<16xi32>
    %swap3A_506 = vector.shape_cast %add3A_502 : vector<16xi32> to vector<16xi32>
    tpu.vector_store %arg9[%swap3A_503], %swap3A_506 {strides = array<i32>} : memref<256xi32, #tpu.memory_space<vmem>>, vector<16xi32>,
    %get3A_507 = arith.constant 224 : index
    %get3A_508 = tpu.vector_load %arg8[%get3A_507] {strides = array<i32>} : memref<512xi32, #tpu.memory_space<vmem>>, vector<16xi32>,
    %get3A_509 = vector.shape_cast %get3A_508 : vector<16xi32> to vector<16xi32>
    %get3A_510 = arith.constant 224 : index
    %get3A_511 = tpu.vector_load %arg9[%get3A_510] {strides = array<i32>} : memref<256xi32, #tpu.memory_space<vmem>>, vector<16xi32>,
    %get3A_512 = vector.shape_cast %get3A_511 : vector<16xi32> to vector<16xi32>
    %get3A_513 = arith.constant 224 : index
    %get3A_514 = tpu.vector_load %arg7[%get3A_513] {strides = array<i32>} : memref<512xi32, #tpu.memory_space<vmem>>, vector<16xi32>,
    %get3A_515 = vector.shape_cast %get3A_514 : vector<16xi32> to vector<16xi32>
    %shift_left3A_516 = arith.constant 17 : i32
    %shift_left3A_517 = vector.broadcast %shift_left3A_516 : i32 to vector<16xi32>
    %shift_left3A_518 = arith.shli %get3A_515, %shift_left3A_517 : vector<16xi32>
    %shift_left3A_519 = arith.constant 7 : i32
    %shift_left3A_520 = vector.broadcast %shift_left3A_519 : i32 to vector<16xi32>
    %shift_left3A_521 = arith.shli %get3A_509, %shift_left3A_520 : vector<16xi32>
    %add3A_522 = arith.addi %shift_left3A_518, %shift_left3A_521 : vector<16xi32>
    %shift_right_arithmetic3A_523 = arith.constant 3 : i32
    %shift_right_arithmetic3A_524 = vector.broadcast %shift_right_arithmetic3A_523 : i32 to vector<16xi32>
    %shift_right_arithmetic3A_525 = arith.shrsi %get3A_509, %shift_right_arithmetic3A_524 : vector<16xi32>
    %shift_left3A_526 = arith.constant 10 : i32
    %shift_left3A_527 = vector.broadcast %shift_left3A_526 : i32 to vector<16xi32>
    %shift_left3A_528 = arith.shli %shift_right_arithmetic3A_525, %shift_left3A_527 : vector<16xi32>
    %add3A_529 = arith.addi %add3A_522, %shift_left3A_528 : vector<16xi32>
    %add3A_530 = arith.addi %add3A_529, %get3A_512 : vector<16xi32>
    %shift_right_arithmetic3A_531 = arith.constant 7 : i32
    %shift_right_arithmetic3A_532 = vector.broadcast %shift_right_arithmetic3A_531 : i32 to vector<16xi32>
    %shift_right_arithmetic3A_533 = arith.shrsi %get3A_512, %shift_right_arithmetic3A_532 : vector<16xi32>
    %mul3A_534 = arith.constant 896 : i32
    %mul3A_535 = vector.broadcast %mul3A_534 : i32 to vector<16xi32>
    %mul3A_536 = arith.muli %shift_right_arithmetic3A_533, %mul3A_535 : vector<16xi32>
    %add3A_537 = arith.addi %add3A_530, %mul3A_536 : vector<16xi32>
    %swap3A_538 = arith.constant 224 : index
    %swap3A_539 = tpu.vector_load %arg9[%swap3A_538] {strides = array<i32>} : memref<256xi32, #tpu.memory_space<vmem>>, vector<16xi32>,
    %swap3A_540 = vector.shape_cast %swap3A_539 : vector<16xi32> to vector<16xi32>
    %swap3A_541 = vector.shape_cast %add3A_537 : vector<16xi32> to vector<16xi32>
    tpu.vector_store %arg9[%swap3A_538], %swap3A_541 {strides = array<i32>} : memref<256xi32, #tpu.memory_space<vmem>>, vector<16xi32>,
    %get3A_542 = arith.constant 240 : index
    %get3A_543 = tpu.vector_load %arg8[%get3A_542] {strides = array<i32>} : memref<512xi32, #tpu.memory_space<vmem>>, vector<16xi32>,
    %get3A_544 = vector.shape_cast %get3A_543 : vector<16xi32> to vector<16xi32>
    %get3A_545 = arith.constant 240 : index
    %get3A_546 = tpu.vector_load %arg9[%get3A_545] {strides = array<i32>} : memref<256xi32, #tpu.memory_space<vmem>>, vector<16xi32>,
    %get3A_547 = vector.shape_cast %get3A_546 : vector<16xi32> to vector<16xi32>
    %get3A_548 = arith.constant 240 : index
    %get3A_549 = tpu.vector_load %arg7[%get3A_548] {strides = array<i32>} : memref<512xi32, #tpu.memory_space<vmem>>, vector<16xi32>,
    %get3A_550 = vector.shape_cast %get3A_549 : vector<16xi32> to vector<16xi32>
    %shift_left3A_551 = arith.constant 17 : i32
    %shift_left3A_552 = vector.broadcast %shift_left3A_551 : i32 to vector<16xi32>
    %shift_left3A_553 = arith.shli %get3A_550, %shift_left3A_552 : vector<16xi32>
    %shift_left3A_554 = arith.constant 7 : i32
    %shift_left3A_555 = vector.broadcast %shift_left3A_554 : i32 to vector<16xi32>
    %shift_left3A_556 = arith.shli %get3A_544, %shift_left3A_555 : vector<16xi32>
    %add3A_557 = arith.addi %shift_left3A_553, %shift_left3A_556 : vector<16xi32>
    %shift_right_arithmetic3A_558 = arith.constant 3 : i32
    %shift_right_arithmetic3A_559 = vector.broadcast %shift_right_arithmetic3A_558 : i32 to vector<16xi32>
    %shift_right_arithmetic3A_560 = arith.shrsi %get3A_544, %shift_right_arithmetic3A_559 : vector<16xi32>
    %shift_left3A_561 = arith.constant 10 : i32
    %shift_left3A_562 = vector.broadcast %shift_left3A_561 : i32 to vector<16xi32>
    %shift_left3A_563 = arith.shli %shift_right_arithmetic3A_560, %shift_left3A_562 : vector<16xi32>
    %add3A_564 = arith.addi %add3A_557, %shift_left3A_563 : vector<16xi32>
    %add3A_565 = arith.addi %add3A_564, %get3A_547 : vector<16xi32>
    %shift_right_arithmetic3A_566 = arith.constant 7 : i32
    %shift_right_arithmetic3A_567 = vector.broadcast %shift_right_arithmetic3A_566 : i32 to vector<16xi32>
    %shift_right_arithmetic3A_568 = arith.shrsi %get3A_547, %shift_right_arithmetic3A_567 : vector<16xi32>
    %mul3A_569 = arith.constant 896 : i32
    %mul3A_570 = vector.broadcast %mul3A_569 : i32 to vector<16xi32>
    %mul3A_571 = arith.muli %shift_right_arithmetic3A_568, %mul3A_570 : vector<16xi32>
    %add3A_572 = arith.addi %add3A_565, %mul3A_571 : vector<16xi32>
    %swap3A_573 = arith.constant 240 : index
    %swap3A_574 = tpu.vector_load %arg9[%swap3A_573] {strides = array<i32>} : memref<256xi32, #tpu.memory_space<vmem>>, vector<16xi32>,
    %swap3A_575 = vector.shape_cast %swap3A_574 : vector<16xi32> to vector<16xi32>
    %swap3A_576 = vector.shape_cast %add3A_572 : vector<16xi32> to vector<16xi32>
    tpu.vector_store %arg9[%swap3A_573], %swap3A_576 {strides = array<i32>} : memref<256xi32, #tpu.memory_space<vmem>>, vector<16xi32>,
    %dma_start3A_577 = arith.constant 0 : i32
    %dma_start3A_578 = tpu.memref_slice %arg5[%dma_start3A_577] : memref<67108864xf32, #tpu.memory_space<hbm>> -> memref<67108864xf32, #tpu.memory_space<hbm>>
    tpu.enqueue_indirect_dma source(%dma_start3A_578 : memref<67108864xf32, #tpu.memory_space<hbm>>) target(%arg11 : memref<256xf32, #tpu.memory_space<vmem>>) offsets(%arg9 : memref<256xi32, #tpu.memory_space<vmem>>) semaphore(%arg13 : memref<!tpu.dma_semaphore, #tpu.memory_space<semaphore_mem>>)
    %get3A_579 = arith.constant 256 : index
    %get3A_580 = tpu.vector_load %arg8[%get3A_579] {strides = array<i32>} : memref<512xi32, #tpu.memory_space<vmem>>, vector<16xi32>,
    %get3A_581 = vector.shape_cast %get3A_580 : vector<16xi32> to vector<16xi32>
    %get3A_582 = arith.constant 0 : index
    %get3A_583 = tpu.vector_load %arg10[%get3A_582] {strides = array<i32>} : memref<256xi32, #tpu.memory_space<vmem>>, vector<16xi32>,
    %get3A_584 = vector.shape_cast %get3A_583 : vector<16xi32> to vector<16xi32>
    %get3A_585 = arith.constant 256 : index
    %get3A_586 = tpu.vector_load %arg7[%get3A_585] {strides = array<i32>} : memref<512xi32, #tpu.memory_space<vmem>>, vector<16xi32>,
    %get3A_587 = vector.shape_cast %get3A_586 : vector<16xi32> to vector<16xi32>
    %shift_left3A_588 = arith.constant 17 : i32
    %shift_left3A_589 = vector.broadcast %shift_left3A_588 : i32 to vector<16xi32>
    %shift_left3A_590 = arith.shli %get3A_587, %shift_left3A_589 : vector<16xi32>
    %shift_left3A_591 = arith.constant 7 : i32
    %shift_left3A_592 = vector.broadcast %shift_left3A_591 : i32 to vector<16xi32>
    %shift_left3A_593 = arith.shli %get3A_581, %shift_left3A_592 : vector<16xi32>
    %add3A_594 = arith.addi %shift_left3A_590, %shift_left3A_593 : vector<16xi32>
    %shift_right_arithmetic3A_595 = arith.constant 3 : i32
    %shift_right_arithmetic3A_596 = vector.broadcast %shift_right_arithmetic3A_595 : i32 to vector<16xi32>
    %shift_right_arithmetic3A_597 = arith.shrsi %get3A_581, %shift_right_arithmetic3A_596 : vector<16xi32>
    %shift_left3A_598 = arith.constant 10 : i32
    %shift_left3A_599 = vector.broadcast %shift_left3A_598 : i32 to vector<16xi32>
    %shift_left3A_600 = arith.shli %shift_right_arithmetic3A_597, %shift_left3A_599 : vector<16xi32>
    %add3A_601 = arith.addi %add3A_594, %shift_left3A_600 : vector<16xi32>
    %add3A_602 = arith.addi %add3A_601, %get3A_584 : vector<16xi32>
    %shift_right_arithmetic3A_603 = arith.constant 7 : i32
    %shift_right_arithmetic3A_604 = vector.broadcast %shift_right_arithmetic3A_603 : i32 to vector<16xi32>
    %shift_right_arithmetic3A_605 = arith.shrsi %get3A_584, %shift_right_arithmetic3A_604 : vector<16xi32>
    %mul3A_606 = arith.constant 896 : i32
    %mul3A_607 = vector.broadcast %mul3A_606 : i32 to vector<16xi32>
    %mul3A_608 = arith.muli %shift_right_arithmetic3A_605, %mul3A_607 : vector<16xi32>
    %add3A_609 = arith.addi %add3A_602, %mul3A_608 : vector<16xi32>
    %swap3A_610 = arith.constant 0 : index
    %swap3A_611 = tpu.vector_load %arg10[%swap3A_610] {strides = array<i32>} : memref<256xi32, #tpu.memory_space<vmem>>, vector<16xi32>,
    %swap3A_612 = vector.shape_cast %swap3A_611 : vector<16xi32> to vector<16xi32>
    %swap3A_613 = vector.shape_cast %add3A_609 : vector<16xi32> to vector<16xi32>
    tpu.vector_store %arg10[%swap3A_610], %swap3A_613 {strides = array<i32>} : memref<256xi32, #tpu.memory_space<vmem>>, vector<16xi32>,
    %get3A_614 = arith.constant 272 : index
    %get3A_615 = tpu.vector_load %arg8[%get3A_614] {strides = array<i32>} : memref<512xi32, #tpu.memory_space<vmem>>, vector<16xi32>,
    %get3A_616 = vector.shape_cast %get3A_615 : vector<16xi32> to vector<16xi32>
    %get3A_617 = arith.constant 16 : index
    %get3A_618 = tpu.vector_load %arg10[%get3A_617] {strides = array<i32>} : memref<256xi32, #tpu.memory_space<vmem>>, vector<16xi32>,
    %get3A_619 = vector.shape_cast %get3A_618 : vector<16xi32> to vector<16xi32>
    %get3A_620 = arith.constant 272 : index
    %get3A_621 = tpu.vector_load %arg7[%get3A_620] {strides = array<i32>} : memref<512xi32, #tpu.memory_space<vmem>>, vector<16xi32>,
    %get3A_622 = vector.shape_cast %get3A_621 : vector<16xi32> to vector<16xi32>
    %shift_left3A_623 = arith.constant 17 : i32
    %shift_left3A_624 = vector.broadcast %shift_left3A_623 : i32 to vector<16xi32>
    %shift_left3A_625 = arith.shli %get3A_622, %shift_left3A_624 : vector<16xi32>
    %shift_left3A_626 = arith.constant 7 : i32
    %shift_left3A_627 = vector.broadcast %shift_left3A_626 : i32 to vector<16xi32>
    %shift_left3A_628 = arith.shli %get3A_616, %shift_left3A_627 : vector<16xi32>
    %add3A_629 = arith.addi %shift_left3A_625, %shift_left3A_628 : vector<16xi32>
    %shift_right_arithmetic3A_630 = arith.constant 3 : i32
    %shift_right_arithmetic3A_631 = vector.broadcast %shift_right_arithmetic3A_630 : i32 to vector<16xi32>
    %shift_right_arithmetic3A_632 = arith.shrsi %get3A_616, %shift_right_arithmetic3A_631 : vector<16xi32>
    %shift_left3A_633 = arith.constant 10 : i32
    %shift_left3A_634 = vector.broadcast %shift_left3A_633 : i32 to vector<16xi32>
    %shift_left3A_635 = arith.shli %shift_right_arithmetic3A_632, %shift_left3A_634 : vector<16xi32>
    %add3A_636 = arith.addi %add3A_629, %shift_left3A_635 : vector<16xi32>
    %add3A_637 = arith.addi %add3A_636, %get3A_619 : vector<16xi32>
    %shift_right_arithmetic3A_638 = arith.constant 7 : i32
    %shift_right_arithmetic3A_639 = vector.broadcast %shift_right_arithmetic3A_638 : i32 to vector<16xi32>
    %shift_right_arithmetic3A_640 = arith.shrsi %get3A_619, %shift_right_arithmetic3A_639 : vector<16xi32>
    %mul3A_641 = arith.constant 896 : i32
    %mul3A_642 = vector.broadcast %mul3A_641 : i32 to vector<16xi32>
    %mul3A_643 = arith.muli %shift_right_arithmetic3A_640, %mul3A_642 : vector<16xi32>
    %add3A_644 = arith.addi %add3A_637, %mul3A_643 : vector<16xi32>
    %swap3A_645 = arith.constant 16 : index
    %swap3A_646 = tpu.vector_load %arg10[%swap3A_645] {strides = array<i32>} : memref<256xi32, #tpu.memory_space<vmem>>, vector<16xi32>,
    %swap3A_647 = vector.shape_cast %swap3A_646 : vector<16xi32> to vector<16xi32>
    %swap3A_648 = vector.shape_cast %add3A_644 : vector<16xi32> to vector<16xi32>
    tpu.vector_store %arg10[%swap3A_645], %swap3A_648 {strides = array<i32>} : memref<256xi32, #tpu.memory_space<vmem>>, vector<16xi32>,
    %get3A_649 = arith.constant 288 : index
    %get3A_650 = tpu.vector_load %arg8[%get3A_649] {strides = array<i32>} : memref<512xi32, #tpu.memory_space<vmem>>, vector<16xi32>,
    %get3A_651 = vector.shape_cast %get3A_650 : vector<16xi32> to vector<16xi32>
    %get3A_652 = arith.constant 32 : index
    %get3A_653 = tpu.vector_load %arg10[%get3A_652] {strides = array<i32>} : memref<256xi32, #tpu.memory_space<vmem>>, vector<16xi32>,
    %get3A_654 = vector.shape_cast %get3A_653 : vector<16xi32> to vector<16xi32>
    %get3A_655 = arith.constant 288 : index
    %get3A_656 = tpu.vector_load %arg7[%get3A_655] {strides = array<i32>} : memref<512xi32, #tpu.memory_space<vmem>>, vector<16xi32>,
    %get3A_657 = vector.shape_cast %get3A_656 : vector<16xi32> to vector<16xi32>
    %shift_left3A_658 = arith.constant 17 : i32
    %shift_left3A_659 = vector.broadcast %shift_left3A_658 : i32 to vector<16xi32>
    %shift_left3A_660 = arith.shli %get3A_657, %shift_left3A_659 : vector<16xi32>
    %shift_left3A_661 = arith.constant 7 : i32
    %shift_left3A_662 = vector.broadcast %shift_left3A_661 : i32 to vector<16xi32>
    %shift_left3A_663 = arith.shli %get3A_651, %shift_left3A_662 : vector<16xi32>
    %add3A_664 = arith.addi %shift_left3A_660, %shift_left3A_663 : vector<16xi32>
    %shift_right_arithmetic3A_665 = arith.constant 3 : i32
    %shift_right_arithmetic3A_666 = vector.broadcast %shift_right_arithmetic3A_665 : i32 to vector<16xi32>
    %shift_right_arithmetic3A_667 = arith.shrsi %get3A_651, %shift_right_arithmetic3A_666 : vector<16xi32>
    %shift_left3A_668 = arith.constant 10 : i32
    %shift_left3A_669 = vector.broadcast %shift_left3A_668 : i32 to vector<16xi32>
    %shift_left3A_670 = arith.shli %shift_right_arithmetic3A_667, %shift_left3A_669 : vector<16xi32>
    %add3A_671 = arith.addi %add3A_664, %shift_left3A_670 : vector<16xi32>
    %add3A_672 = arith.addi %add3A_671, %get3A_654 : vector<16xi32>
    %shift_right_arithmetic3A_673 = arith.constant 7 : i32
    %shift_right_arithmetic3A_674 = vector.broadcast %shift_right_arithmetic3A_673 : i32 to vector<16xi32>
    %shift_right_arithmetic3A_675 = arith.shrsi %get3A_654, %shift_right_arithmetic3A_674 : vector<16xi32>
    %mul3A_676 = arith.constant 896 : i32
    %mul3A_677 = vector.broadcast %mul3A_676 : i32 to vector<16xi32>
    %mul3A_678 = arith.muli %shift_right_arithmetic3A_675, %mul3A_677 : vector<16xi32>
    %add3A_679 = arith.addi %add3A_672, %mul3A_678 : vector<16xi32>
    %swap3A_680 = arith.constant 32 : index
    %swap3A_681 = tpu.vector_load %arg10[%swap3A_680] {strides = array<i32>} : memref<256xi32, #tpu.memory_space<vmem>>, vector<16xi32>,
    %swap3A_682 = vector.shape_cast %swap3A_681 : vector<16xi32> to vector<16xi32>
    %swap3A_683 = vector.shape_cast %add3A_679 : vector<16xi32> to vector<16xi32>
    tpu.vector_store %arg10[%swap3A_680], %swap3A_683 {strides = array<i32>} : memref<256xi32, #tpu.memory_space<vmem>>, vector<16xi32>,
    %get3A_684 = arith.constant 304 : index
    %get3A_685 = tpu.vector_load %arg8[%get3A_684] {strides = array<i32>} : memref<512xi32, #tpu.memory_space<vmem>>, vector<16xi32>,
    %get3A_686 = vector.shape_cast %get3A_685 : vector<16xi32> to vector<16xi32>
    %get3A_687 = arith.constant 48 : index
    %get3A_688 = tpu.vector_load %arg10[%get3A_687] {strides = array<i32>} : memref<256xi32, #tpu.memory_space<vmem>>, vector<16xi32>,
    %get3A_689 = vector.shape_cast %get3A_688 : vector<16xi32> to vector<16xi32>
    %get3A_690 = arith.constant 304 : index
    %get3A_691 = tpu.vector_load %arg7[%get3A_690] {strides = array<i32>} : memref<512xi32, #tpu.memory_space<vmem>>, vector<16xi32>,
    %get3A_692 = vector.shape_cast %get3A_691 : vector<16xi32> to vector<16xi32>
    %shift_left3A_693 = arith.constant 17 : i32
    %shift_left3A_694 = vector.broadcast %shift_left3A_693 : i32 to vector<16xi32>
    %shift_left3A_695 = arith.shli %get3A_692, %shift_left3A_694 : vector<16xi32>
    %shift_left3A_696 = arith.constant 7 : i32
    %shift_left3A_697 = vector.broadcast %shift_left3A_696 : i32 to vector<16xi32>
    %shift_left3A_698 = arith.shli %get3A_686, %shift_left3A_697 : vector<16xi32>
    %add3A_699 = arith.addi %shift_left3A_695, %shift_left3A_698 : vector<16xi32>
    %shift_right_arithmetic3A_700 = arith.constant 3 : i32
    %shift_right_arithmetic3A_701 = vector.broadcast %shift_right_arithmetic3A_700 : i32 to vector<16xi32>
    %shift_right_arithmetic3A_702 = arith.shrsi %get3A_686, %shift_right_arithmetic3A_701 : vector<16xi32>
    %shift_left3A_703 = arith.constant 10 : i32
    %shift_left3A_704 = vector.broadcast %shift_left3A_703 : i32 to vector<16xi32>
    %shift_left3A_705 = arith.shli %shift_right_arithmetic3A_702, %shift_left3A_704 : vector<16xi32>
    %add3A_706 = arith.addi %add3A_699, %shift_left3A_705 : vector<16xi32>
    %add3A_707 = arith.addi %add3A_706, %get3A_689 : vector<16xi32>
    %shift_right_arithmetic3A_708 = arith.constant 7 : i32
    %shift_right_arithmetic3A_709 = vector.broadcast %shift_right_arithmetic3A_708 : i32 to vector<16xi32>
    %shift_right_arithmetic3A_710 = arith.shrsi %get3A_689, %shift_right_arithmetic3A_709 : vector<16xi32>
    %mul3A_711 = arith.constant 896 : i32
    %mul3A_712 = vector.broadcast %mul3A_711 : i32 to vector<16xi32>
    %mul3A_713 = arith.muli %shift_right_arithmetic3A_710, %mul3A_712 : vector<16xi32>
    %add3A_714 = arith.addi %add3A_707, %mul3A_713 : vector<16xi32>
    %swap3A_715 = arith.constant 48 : index
    %swap3A_716 = tpu.vector_load %arg10[%swap3A_715] {strides = array<i32>} : memref<256xi32, #tpu.memory_space<vmem>>, vector<16xi32>,
    %swap3A_717 = vector.shape_cast %swap3A_716 : vector<16xi32> to vector<16xi32>
    %swap3A_718 = vector.shape_cast %add3A_714 : vector<16xi32> to vector<16xi32>
    tpu.vector_store %arg10[%swap3A_715], %swap3A_718 {strides = array<i32>} : memref<256xi32, #tpu.memory_space<vmem>>, vector<16xi32>,
    %get3A_719 = arith.constant 320 : index
    %get3A_720 = tpu.vector_load %arg8[%get3A_719] {strides = array<i32>} : memref<512xi32, #tpu.memory_space<vmem>>, vector<16xi32>,
    %get3A_721 = vector.shape_cast %get3A_720 : vector<16xi32> to vector<16xi32>
    %get3A_722 = arith.constant 64 : index
    %get3A_723 = tpu.vector_load %arg10[%get3A_722] {strides = array<i32>} : memref<256xi32, #tpu.memory_space<vmem>>, vector<16xi32>,
    %get3A_724 = vector.shape_cast %get3A_723 : vector<16xi32> to vector<16xi32>
    %get3A_725 = arith.constant 320 : index
    %get3A_726 = tpu.vector_load %arg7[%get3A_725] {strides = array<i32>} : memref<512xi32, #tpu.memory_space<vmem>>, vector<16xi32>,
    %get3A_727 = vector.shape_cast %get3A_726 : vector<16xi32> to vector<16xi32>
    %shift_left3A_728 = arith.constant 17 : i32
    %shift_left3A_729 = vector.broadcast %shift_left3A_728 : i32 to vector<16xi32>
    %shift_left3A_730 = arith.shli %get3A_727, %shift_left3A_729 : vector<16xi32>
    %shift_left3A_731 = arith.constant 7 : i32
    %shift_left3A_732 = vector.broadcast %shift_left3A_731 : i32 to vector<16xi32>
    %shift_left3A_733 = arith.shli %get3A_721, %shift_left3A_732 : vector<16xi32>
    %add3A_734 = arith.addi %shift_left3A_730, %shift_left3A_733 : vector<16xi32>
    %shift_right_arithmetic3A_735 = arith.constant 3 : i32
    %shift_right_arithmetic3A_736 = vector.broadcast %shift_right_arithmetic3A_735 : i32 to vector<16xi32>
    %shift_right_arithmetic3A_737 = arith.shrsi %get3A_721, %shift_right_arithmetic3A_736 : vector<16xi32>
    %shift_left3A_738 = arith.constant 10 : i32
    %shift_left3A_739 = vector.broadcast %shift_left3A_738 : i32 to vector<16xi32>
    %shift_left3A_740 = arith.shli %shift_right_arithmetic3A_737, %shift_left3A_739 : vector<16xi32>
    %add3A_741 = arith.addi %add3A_734, %shift_left3A_740 : vector<16xi32>
    %add3A_742 = arith.addi %add3A_741, %get3A_724 : vector<16xi32>
    %shift_right_arithmetic3A_743 = arith.constant 7 : i32
    %shift_right_arithmetic3A_744 = vector.broadcast %shift_right_arithmetic3A_743 : i32 to vector<16xi32>
    %shift_right_arithmetic3A_745 = arith.shrsi %get3A_724, %shift_right_arithmetic3A_744 : vector<16xi32>
    %mul3A_746 = arith.constant 896 : i32
    %mul3A_747 = vector.broadcast %mul3A_746 : i32 to vector<16xi32>
    %mul3A_748 = arith.muli %shift_right_arithmetic3A_745, %mul3A_747 : vector<16xi32>
    %add3A_749 = arith.addi %add3A_742, %mul3A_748 : vector<16xi32>
    %swap3A_750 = arith.constant 64 : index
    %swap3A_751 = tpu.vector_load %arg10[%swap3A_750] {strides = array<i32>} : memref<256xi32, #tpu.memory_space<vmem>>, vector<16xi32>,
    %swap3A_752 = vector.shape_cast %swap3A_751 : vector<16xi32> to vector<16xi32>
    %swap3A_753 = vector.shape_cast %add3A_749 : vector<16xi32> to vector<16xi32>
    tpu.vector_store %arg10[%swap3A_750], %swap3A_753 {strides = array<i32>} : memref<256xi32, #tpu.memory_space<vmem>>, vector<16xi32>,
    %get3A_754 = arith.constant 336 : index
    %get3A_755 = tpu.vector_load %arg8[%get3A_754] {strides = array<i32>} : memref<512xi32, #tpu.memory_space<vmem>>, vector<16xi32>,
    %get3A_756 = vector.shape_cast %get3A_755 : vector<16xi32> to vector<16xi32>
    %get3A_757 = arith.constant 80 : index
    %get3A_758 = tpu.vector_load %arg10[%get3A_757] {strides = array<i32>} : memref<256xi32, #tpu.memory_space<vmem>>, vector<16xi32>,
    %get3A_759 = vector.shape_cast %get3A_758 : vector<16xi32> to vector<16xi32>
    %get3A_760 = arith.constant 336 : index
    %get3A_761 = tpu.vector_load %arg7[%get3A_760] {strides = array<i32>} : memref<512xi32, #tpu.memory_space<vmem>>, vector<16xi32>,
    %get3A_762 = vector.shape_cast %get3A_761 : vector<16xi32> to vector<16xi32>
    %shift_left3A_763 = arith.constant 17 : i32
    %shift_left3A_764 = vector.broadcast %shift_left3A_763 : i32 to vector<16xi32>
    %shift_left3A_765 = arith.shli %get3A_762, %shift_left3A_764 : vector<16xi32>
    %shift_left3A_766 = arith.constant 7 : i32
    %shift_left3A_767 = vector.broadcast %shift_left3A_766 : i32 to vector<16xi32>
    %shift_left3A_768 = arith.shli %get3A_756, %shift_left3A_767 : vector<16xi32>
    %add3A_769 = arith.addi %shift_left3A_765, %shift_left3A_768 : vector<16xi32>
    %shift_right_arithmetic3A_770 = arith.constant 3 : i32
    %shift_right_arithmetic3A_771 = vector.broadcast %shift_right_arithmetic3A_770 : i32 to vector<16xi32>
    %shift_right_arithmetic3A_772 = arith.shrsi %get3A_756, %shift_right_arithmetic3A_771 : vector<16xi32>
    %shift_left3A_773 = arith.constant 10 : i32
    %shift_left3A_774 = vector.broadcast %shift_left3A_773 : i32 to vector<16xi32>
    %shift_left3A_775 = arith.shli %shift_right_arithmetic3A_772, %shift_left3A_774 : vector<16xi32>
    %add3A_776 = arith.addi %add3A_769, %shift_left3A_775 : vector<16xi32>
    %add3A_777 = arith.addi %add3A_776, %get3A_759 : vector<16xi32>
    %shift_right_arithmetic3A_778 = arith.constant 7 : i32
    %shift_right_arithmetic3A_779 = vector.broadcast %shift_right_arithmetic3A_778 : i32 to vector<16xi32>
    %shift_right_arithmetic3A_780 = arith.shrsi %get3A_759, %shift_right_arithmetic3A_779 : vector<16xi32>
    %mul3A_781 = arith.constant 896 : i32
    %mul3A_782 = vector.broadcast %mul3A_781 : i32 to vector<16xi32>
    %mul3A_783 = arith.muli %shift_right_arithmetic3A_780, %mul3A_782 : vector<16xi32>
    %add3A_784 = arith.addi %add3A_777, %mul3A_783 : vector<16xi32>
    %swap3A_785 = arith.constant 80 : index
    %swap3A_786 = tpu.vector_load %arg10[%swap3A_785] {strides = array<i32>} : memref<256xi32, #tpu.memory_space<vmem>>, vector<16xi32>,
    %swap3A_787 = vector.shape_cast %swap3A_786 : vector<16xi32> to vector<16xi32>
    %swap3A_788 = vector.shape_cast %add3A_784 : vector<16xi32> to vector<16xi32>
    tpu.vector_store %arg10[%swap3A_785], %swap3A_788 {strides = array<i32>} : memref<256xi32, #tpu.memory_space<vmem>>, vector<16xi32>,
    %get3A_789 = arith.constant 352 : index
    %get3A_790 = tpu.vector_load %arg8[%get3A_789] {strides = array<i32>} : memref<512xi32, #tpu.memory_space<vmem>>, vector<16xi32>,
    %get3A_791 = vector.shape_cast %get3A_790 : vector<16xi32> to vector<16xi32>
    %get3A_792 = arith.constant 96 : index
    %get3A_793 = tpu.vector_load %arg10[%get3A_792] {strides = array<i32>} : memref<256xi32, #tpu.memory_space<vmem>>, vector<16xi32>,
    %get3A_794 = vector.shape_cast %get3A_793 : vector<16xi32> to vector<16xi32>
    %get3A_795 = arith.constant 352 : index
    %get3A_796 = tpu.vector_load %arg7[%get3A_795] {strides = array<i32>} : memref<512xi32, #tpu.memory_space<vmem>>, vector<16xi32>,
    %get3A_797 = vector.shape_cast %get3A_796 : vector<16xi32> to vector<16xi32>
    %shift_left3A_798 = arith.constant 17 : i32
    %shift_left3A_799 = vector.broadcast %shift_left3A_798 : i32 to vector<16xi32>
    %shift_left3A_800 = arith.shli %get3A_797, %shift_left3A_799 : vector<16xi32>
    %shift_left3A_801 = arith.constant 7 : i32
    %shift_left3A_802 = vector.broadcast %shift_left3A_801 : i32 to vector<16xi32>
    %shift_left3A_803 = arith.shli %get3A_791, %shift_left3A_802 : vector<16xi32>
    %add3A_804 = arith.addi %shift_left3A_800, %shift_left3A_803 : vector<16xi32>
    %shift_right_arithmetic3A_805 = arith.constant 3 : i32
    %shift_right_arithmetic3A_806 = vector.broadcast %shift_right_arithmetic3A_805 : i32 to vector<16xi32>
    %shift_right_arithmetic3A_807 = arith.shrsi %get3A_791, %shift_right_arithmetic3A_806 : vector<16xi32>
    %shift_left3A_808 = arith.constant 10 : i32
    %shift_left3A_809 = vector.broadcast %shift_left3A_808 : i32 to vector<16xi32>
    %shift_left3A_810 = arith.shli %shift_right_arithmetic3A_807, %shift_left3A_809 : vector<16xi32>
    %add3A_811 = arith.addi %add3A_804, %shift_left3A_810 : vector<16xi32>
    %add3A_812 = arith.addi %add3A_811, %get3A_794 : vector<16xi32>
    %shift_right_arithmetic3A_813 = arith.constant 7 : i32
    %shift_right_arithmetic3A_814 = vector.broadcast %shift_right_arithmetic3A_813 : i32 to vector<16xi32>
    %shift_right_arithmetic3A_815 = arith.shrsi %get3A_794, %shift_right_arithmetic3A_814 : vector<16xi32>
    %mul3A_816 = arith.constant 896 : i32
    %mul3A_817 = vector.broadcast %mul3A_816 : i32 to vector<16xi32>
    %mul3A_818 = arith.muli %shift_right_arithmetic3A_815, %mul3A_817 : vector<16xi32>
    %add3A_819 = arith.addi %add3A_812, %mul3A_818 : vector<16xi32>
    %swap3A_820 = arith.constant 96 : index
    %swap3A_821 = tpu.vector_load %arg10[%swap3A_820] {strides = array<i32>} : memref<256xi32, #tpu.memory_space<vmem>>, vector<16xi32>,
    %swap3A_822 = vector.shape_cast %swap3A_821 : vector<16xi32> to vector<16xi32>
    %swap3A_823 = vector.shape_cast %add3A_819 : vector<16xi32> to vector<16xi32>
    tpu.vector_store %arg10[%swap3A_820], %swap3A_823 {strides = array<i32>} : memref<256xi32, #tpu.memory_space<vmem>>, vector<16xi32>,
    %get3A_824 = arith.constant 368 : index
    %get3A_825 = tpu.vector_load %arg8[%get3A_824] {strides = array<i32>} : memref<512xi32, #tpu.memory_space<vmem>>, vector<16xi32>,
    %get3A_826 = vector.shape_cast %get3A_825 : vector<16xi32> to vector<16xi32>
    %get3A_827 = arith.constant 112 : index
    %get3A_828 = tpu.vector_load %arg10[%get3A_827] {strides = array<i32>} : memref<256xi32, #tpu.memory_space<vmem>>, vector<16xi32>,
    %get3A_829 = vector.shape_cast %get3A_828 : vector<16xi32> to vector<16xi32>
    %get3A_830 = arith.constant 368 : index
    %get3A_831 = tpu.vector_load %arg7[%get3A_830] {strides = array<i32>} : memref<512xi32, #tpu.memory_space<vmem>>, vector<16xi32>,
    %get3A_832 = vector.shape_cast %get3A_831 : vector<16xi32> to vector<16xi32>
    %shift_left3A_833 = arith.constant 17 : i32
    %shift_left3A_834 = vector.broadcast %shift_left3A_833 : i32 to vector<16xi32>
    %shift_left3A_835 = arith.shli %get3A_832, %shift_left3A_834 : vector<16xi32>
    %shift_left3A_836 = arith.constant 7 : i32
    %shift_left3A_837 = vector.broadcast %shift_left3A_836 : i32 to vector<16xi32>
    %shift_left3A_838 = arith.shli %get3A_826, %shift_left3A_837 : vector<16xi32>
    %add3A_839 = arith.addi %shift_left3A_835, %shift_left3A_838 : vector<16xi32>
    %shift_right_arithmetic3A_840 = arith.constant 3 : i32
    %shift_right_arithmetic3A_841 = vector.broadcast %shift_right_arithmetic3A_840 : i32 to vector<16xi32>
    %shift_right_arithmetic3A_842 = arith.shrsi %get3A_826, %shift_right_arithmetic3A_841 : vector<16xi32>
    %shift_left3A_843 = arith.constant 10 : i32
    %shift_left3A_844 = vector.broadcast %shift_left3A_843 : i32 to vector<16xi32>
    %shift_left3A_845 = arith.shli %shift_right_arithmetic3A_842, %shift_left3A_844 : vector<16xi32>
    %add3A_846 = arith.addi %add3A_839, %shift_left3A_845 : vector<16xi32>
    %add3A_847 = arith.addi %add3A_846, %get3A_829 : vector<16xi32>
    %shift_right_arithmetic3A_848 = arith.constant 7 : i32
    %shift_right_arithmetic3A_849 = vector.broadcast %shift_right_arithmetic3A_848 : i32 to vector<16xi32>
    %shift_right_arithmetic3A_850 = arith.shrsi %get3A_829, %shift_right_arithmetic3A_849 : vector<16xi32>
    %mul3A_851 = arith.constant 896 : i32
    %mul3A_852 = vector.broadcast %mul3A_851 : i32 to vector<16xi32>
    %mul3A_853 = arith.muli %shift_right_arithmetic3A_850, %mul3A_852 : vector<16xi32>
    %add3A_854 = arith.addi %add3A_847, %mul3A_853 : vector<16xi32>
    %swap3A_855 = arith.constant 112 : index
    %swap3A_856 = tpu.vector_load %arg10[%swap3A_855] {strides = array<i32>} : memref<256xi32, #tpu.memory_space<vmem>>, vector<16xi32>,
    %swap3A_857 = vector.shape_cast %swap3A_856 : vector<16xi32> to vector<16xi32>
    %swap3A_858 = vector.shape_cast %add3A_854 : vector<16xi32> to vector<16xi32>
    tpu.vector_store %arg10[%swap3A_855], %swap3A_858 {strides = array<i32>} : memref<256xi32, #tpu.memory_space<vmem>>, vector<16xi32>,
    %get3A_859 = arith.constant 384 : index
    %get3A_860 = tpu.vector_load %arg8[%get3A_859] {strides = array<i32>} : memref<512xi32, #tpu.memory_space<vmem>>, vector<16xi32>,
    %get3A_861 = vector.shape_cast %get3A_860 : vector<16xi32> to vector<16xi32>
    %get3A_862 = arith.constant 128 : index
    %get3A_863 = tpu.vector_load %arg10[%get3A_862] {strides = array<i32>} : memref<256xi32, #tpu.memory_space<vmem>>, vector<16xi32>,
    %get3A_864 = vector.shape_cast %get3A_863 : vector<16xi32> to vector<16xi32>
    %get3A_865 = arith.constant 384 : index
    %get3A_866 = tpu.vector_load %arg7[%get3A_865] {strides = array<i32>} : memref<512xi32, #tpu.memory_space<vmem>>, vector<16xi32>,
    %get3A_867 = vector.shape_cast %get3A_866 : vector<16xi32> to vector<16xi32>
    %shift_left3A_868 = arith.constant 17 : i32
    %shift_left3A_869 = vector.broadcast %shift_left3A_868 : i32 to vector<16xi32>
    %shift_left3A_870 = arith.shli %get3A_867, %shift_left3A_869 : vector<16xi32>
    %shift_left3A_871 = arith.constant 7 : i32
    %shift_left3A_872 = vector.broadcast %shift_left3A_871 : i32 to vector<16xi32>
    %shift_left3A_873 = arith.shli %get3A_861, %shift_left3A_872 : vector<16xi32>
    %add3A_874 = arith.addi %shift_left3A_870, %shift_left3A_873 : vector<16xi32>
    %shift_right_arithmetic3A_875 = arith.constant 3 : i32
    %shift_right_arithmetic3A_876 = vector.broadcast %shift_right_arithmetic3A_875 : i32 to vector<16xi32>
    %shift_right_arithmetic3A_877 = arith.shrsi %get3A_861, %shift_right_arithmetic3A_876 : vector<16xi32>
    %shift_left3A_878 = arith.constant 10 : i32
    %shift_left3A_879 = vector.broadcast %shift_left3A_878 : i32 to vector<16xi32>
    %shift_left3A_880 = arith.shli %shift_right_arithmetic3A_877, %shift_left3A_879 : vector<16xi32>
    %add3A_881 = arith.addi %add3A_874, %shift_left3A_880 : vector<16xi32>
    %add3A_882 = arith.addi %add3A_881, %get3A_864 : vector<16xi32>
    %shift_right_arithmetic3A_883 = arith.constant 7 : i32
    %shift_right_arithmetic3A_884 = vector.broadcast %shift_right_arithmetic3A_883 : i32 to vector<16xi32>
    %shift_right_arithmetic3A_885 = arith.shrsi %get3A_864, %shift_right_arithmetic3A_884 : vector<16xi32>
    %mul3A_886 = arith.constant 896 : i32
    %mul3A_887 = vector.broadcast %mul3A_886 : i32 to vector<16xi32>
    %mul3A_888 = arith.muli %shift_right_arithmetic3A_885, %mul3A_887 : vector<16xi32>
    %add3A_889 = arith.addi %add3A_882, %mul3A_888 : vector<16xi32>
    %swap3A_890 = arith.constant 128 : index
    %swap3A_891 = tpu.vector_load %arg10[%swap3A_890] {strides = array<i32>} : memref<256xi32, #tpu.memory_space<vmem>>, vector<16xi32>,
    %swap3A_892 = vector.shape_cast %swap3A_891 : vector<16xi32> to vector<16xi32>
    %swap3A_893 = vector.shape_cast %add3A_889 : vector<16xi32> to vector<16xi32>
    tpu.vector_store %arg10[%swap3A_890], %swap3A_893 {strides = array<i32>} : memref<256xi32, #tpu.memory_space<vmem>>, vector<16xi32>,
    %get3A_894 = arith.constant 400 : index
    %get3A_895 = tpu.vector_load %arg8[%get3A_894] {strides = array<i32>} : memref<512xi32, #tpu.memory_space<vmem>>, vector<16xi32>,
    %get3A_896 = vector.shape_cast %get3A_895 : vector<16xi32> to vector<16xi32>
    %get3A_897 = arith.constant 144 : index
    %get3A_898 = tpu.vector_load %arg10[%get3A_897] {strides = array<i32>} : memref<256xi32, #tpu.memory_space<vmem>>, vector<16xi32>,
    %get3A_899 = vector.shape_cast %get3A_898 : vector<16xi32> to vector<16xi32>
    %get3A_900 = arith.constant 400 : index
    %get3A_901 = tpu.vector_load %arg7[%get3A_900] {strides = array<i32>} : memref<512xi32, #tpu.memory_space<vmem>>, vector<16xi32>,
    %get3A_902 = vector.shape_cast %get3A_901 : vector<16xi32> to vector<16xi32>
    %shift_left3A_903 = arith.constant 17 : i32
    %shift_left3A_904 = vector.broadcast %shift_left3A_903 : i32 to vector<16xi32>
    %shift_left3A_905 = arith.shli %get3A_902, %shift_left3A_904 : vector<16xi32>
    %shift_left3A_906 = arith.constant 7 : i32
    %shift_left3A_907 = vector.broadcast %shift_left3A_906 : i32 to vector<16xi32>
    %shift_left3A_908 = arith.shli %get3A_896, %shift_left3A_907 : vector<16xi32>
    %add3A_909 = arith.addi %shift_left3A_905, %shift_left3A_908 : vector<16xi32>
    %shift_right_arithmetic3A_910 = arith.constant 3 : i32
    %shift_right_arithmetic3A_911 = vector.broadcast %shift_right_arithmetic3A_910 : i32 to vector<16xi32>
    %shift_right_arithmetic3A_912 = arith.shrsi %get3A_896, %shift_right_arithmetic3A_911 : vector<16xi32>
    %shift_left3A_913 = arith.constant 10 : i32
    %shift_left3A_914 = vector.broadcast %shift_left3A_913 : i32 to vector<16xi32>
    %shift_left3A_915 = arith.shli %shift_right_arithmetic3A_912, %shift_left3A_914 : vector<16xi32>
    %add3A_916 = arith.addi %add3A_909, %shift_left3A_915 : vector<16xi32>
    %add3A_917 = arith.addi %add3A_916, %get3A_899 : vector<16xi32>
    %shift_right_arithmetic3A_918 = arith.constant 7 : i32
    %shift_right_arithmetic3A_919 = vector.broadcast %shift_right_arithmetic3A_918 : i32 to vector<16xi32>
    %shift_right_arithmetic3A_920 = arith.shrsi %get3A_899, %shift_right_arithmetic3A_919 : vector<16xi32>
    %mul3A_921 = arith.constant 896 : i32
    %mul3A_922 = vector.broadcast %mul3A_921 : i32 to vector<16xi32>
    %mul3A_923 = arith.muli %shift_right_arithmetic3A_920, %mul3A_922 : vector<16xi32>
    %add3A_924 = arith.addi %add3A_917, %mul3A_923 : vector<16xi32>
    %swap3A_925 = arith.constant 144 : index
    %swap3A_926 = tpu.vector_load %arg10[%swap3A_925] {strides = array<i32>} : memref<256xi32, #tpu.memory_space<vmem>>, vector<16xi32>,
    %swap3A_927 = vector.shape_cast %swap3A_926 : vector<16xi32> to vector<16xi32>
    %swap3A_928 = vector.shape_cast %add3A_924 : vector<16xi32> to vector<16xi32>
    tpu.vector_store %arg10[%swap3A_925], %swap3A_928 {strides = array<i32>} : memref<256xi32, #tpu.memory_space<vmem>>, vector<16xi32>,
    %get3A_929 = arith.constant 416 : index
    %get3A_930 = tpu.vector_load %arg8[%get3A_929] {strides = array<i32>} : memref<512xi32, #tpu.memory_space<vmem>>, vector<16xi32>,
    %get3A_931 = vector.shape_cast %get3A_930 : vector<16xi32> to vector<16xi32>
    %get3A_932 = arith.constant 160 : index
    %get3A_933 = tpu.vector_load %arg10[%get3A_932] {strides = array<i32>} : memref<256xi32, #tpu.memory_space<vmem>>, vector<16xi32>,
    %get3A_934 = vector.shape_cast %get3A_933 : vector<16xi32> to vector<16xi32>
    %get3A_935 = arith.constant 416 : index
    %get3A_936 = tpu.vector_load %arg7[%get3A_935] {strides = array<i32>} : memref<512xi32, #tpu.memory_space<vmem>>, vector<16xi32>,
    %get3A_937 = vector.shape_cast %get3A_936 : vector<16xi32> to vector<16xi32>
    %shift_left3A_938 = arith.constant 17 : i32
    %shift_left3A_939 = vector.broadcast %shift_left3A_938 : i32 to vector<16xi32>
    %shift_left3A_940 = arith.shli %get3A_937, %shift_left3A_939 : vector<16xi32>
    %shift_left3A_941 = arith.constant 7 : i32
    %shift_left3A_942 = vector.broadcast %shift_left3A_941 : i32 to vector<16xi32>
    %shift_left3A_943 = arith.shli %get3A_931, %shift_left3A_942 : vector<16xi32>
    %add3A_944 = arith.addi %shift_left3A_940, %shift_left3A_943 : vector<16xi32>
    %shift_right_arithmetic3A_945 = arith.constant 3 : i32
    %shift_right_arithmetic3A_946 = vector.broadcast %shift_right_arithmetic3A_945 : i32 to vector<16xi32>
    %shift_right_arithmetic3A_947 = arith.shrsi %get3A_931, %shift_right_arithmetic3A_946 : vector<16xi32>
    %shift_left3A_948 = arith.constant 10 : i32
    %shift_left3A_949 = vector.broadcast %shift_left3A_948 : i32 to vector<16xi32>
    %shift_left3A_950 = arith.shli %shift_right_arithmetic3A_947, %shift_left3A_949 : vector<16xi32>
    %add3A_951 = arith.addi %add3A_944, %shift_left3A_950 : vector<16xi32>
    %add3A_952 = arith.addi %add3A_951, %get3A_934 : vector<16xi32>
    %shift_right_arithmetic3A_953 = arith.constant 7 : i32
    %shift_right_arithmetic3A_954 = vector.broadcast %shift_right_arithmetic3A_953 : i32 to vector<16xi32>
    %shift_right_arithmetic3A_955 = arith.shrsi %get3A_934, %shift_right_arithmetic3A_954 : vector<16xi32>
    %mul3A_956 = arith.constant 896 : i32
    %mul3A_957 = vector.broadcast %mul3A_956 : i32 to vector<16xi32>
    %mul3A_958 = arith.muli %shift_right_arithmetic3A_955, %mul3A_957 : vector<16xi32>
    %add3A_959 = arith.addi %add3A_952, %mul3A_958 : vector<16xi32>
    %swap3A_960 = arith.constant 160 : index
    %swap3A_961 = tpu.vector_load %arg10[%swap3A_960] {strides = array<i32>} : memref<256xi32, #tpu.memory_space<vmem>>, vector<16xi32>,
    %swap3A_962 = vector.shape_cast %swap3A_961 : vector<16xi32> to vector<16xi32>
    %swap3A_963 = vector.shape_cast %add3A_959 : vector<16xi32> to vector<16xi32>
    tpu.vector_store %arg10[%swap3A_960], %swap3A_963 {strides = array<i32>} : memref<256xi32, #tpu.memory_space<vmem>>, vector<16xi32>,
    %get3A_964 = arith.constant 432 : index
    %get3A_965 = tpu.vector_load %arg8[%get3A_964] {strides = array<i32>} : memref<512xi32, #tpu.memory_space<vmem>>, vector<16xi32>,
    %get3A_966 = vector.shape_cast %get3A_965 : vector<16xi32> to vector<16xi32>
    %get3A_967 = arith.constant 176 : index
    %get3A_968 = tpu.vector_load %arg10[%get3A_967] {strides = array<i32>} : memref<256xi32, #tpu.memory_space<vmem>>, vector<16xi32>,
    %get3A_969 = vector.shape_cast %get3A_968 : vector<16xi32> to vector<16xi32>
    %get3A_970 = arith.constant 432 : index
    %get3A_971 = tpu.vector_load %arg7[%get3A_970] {strides = array<i32>} : memref<512xi32, #tpu.memory_space<vmem>>, vector<16xi32>,
    %get3A_972 = vector.shape_cast %get3A_971 : vector<16xi32> to vector<16xi32>
    %shift_left3A_973 = arith.constant 17 : i32
    %shift_left3A_974 = vector.broadcast %shift_left3A_973 : i32 to vector<16xi32>
    %shift_left3A_975 = arith.shli %get3A_972, %shift_left3A_974 : vector<16xi32>
    %shift_left3A_976 = arith.constant 7 : i32
    %shift_left3A_977 = vector.broadcast %shift_left3A_976 : i32 to vector<16xi32>
    %shift_left3A_978 = arith.shli %get3A_966, %shift_left3A_977 : vector<16xi32>
    %add3A_979 = arith.addi %shift_left3A_975, %shift_left3A_978 : vector<16xi32>
    %shift_right_arithmetic3A_980 = arith.constant 3 : i32
    %shift_right_arithmetic3A_981 = vector.broadcast %shift_right_arithmetic3A_980 : i32 to vector<16xi32>
    %shift_right_arithmetic3A_982 = arith.shrsi %get3A_966, %shift_right_arithmetic3A_981 : vector<16xi32>
    %shift_left3A_983 = arith.constant 10 : i32
    %shift_left3A_984 = vector.broadcast %shift_left3A_983 : i32 to vector<16xi32>
    %shift_left3A_985 = arith.shli %shift_right_arithmetic3A_982, %shift_left3A_984 : vector<16xi32>
    %add3A_986 = arith.addi %add3A_979, %shift_left3A_985 : vector<16xi32>
    %add3A_987 = arith.addi %add3A_986, %get3A_969 : vector<16xi32>
    %shift_right_arithmetic3A_988 = arith.constant 7 : i32
    %shift_right_arithmetic3A_989 = vector.broadcast %shift_right_arithmetic3A_988 : i32 to vector<16xi32>
    %shift_right_arithmetic3A_990 = arith.shrsi %get3A_969, %shift_right_arithmetic3A_989 : vector<16xi32>
    %mul3A_991 = arith.constant 896 : i32
    %mul3A_992 = vector.broadcast %mul3A_991 : i32 to vector<16xi32>
    %mul3A_993 = arith.muli %shift_right_arithmetic3A_990, %mul3A_992 : vector<16xi32>
    %add3A_994 = arith.addi %add3A_987, %mul3A_993 : vector<16xi32>
    %swap3A_995 = arith.constant 176 : index
    %swap3A_996 = tpu.vector_load %arg10[%swap3A_995] {strides = array<i32>} : memref<256xi32, #tpu.memory_space<vmem>>, vector<16xi32>,
    %swap3A_997 = vector.shape_cast %swap3A_996 : vector<16xi32> to vector<16xi32>
    %swap3A_998 = vector.shape_cast %add3A_994 : vector<16xi32> to vector<16xi32>
    tpu.vector_store %arg10[%swap3A_995], %swap3A_998 {strides = array<i32>} : memref<256xi32, #tpu.memory_space<vmem>>, vector<16xi32>,
    %get3A_999 = arith.constant 448 : index
    %get3A_1000 = tpu.vector_load %arg8[%get3A_999] {strides = array<i32>} : memref<512xi32, #tpu.memory_space<vmem>>, vector<16xi32>,
    %get3A_1001 = vector.shape_cast %get3A_1000 : vector<16xi32> to vector<16xi32>
    %get3A_1002 = arith.constant 192 : index
    %get3A_1003 = tpu.vector_load %arg10[%get3A_1002] {strides = array<i32>} : memref<256xi32, #tpu.memory_space<vmem>>, vector<16xi32>,
    %get3A_1004 = vector.shape_cast %get3A_1003 : vector<16xi32> to vector<16xi32>
    %get3A_1005 = arith.constant 448 : index
    %get3A_1006 = tpu.vector_load %arg7[%get3A_1005] {strides = array<i32>} : memref<512xi32, #tpu.memory_space<vmem>>, vector<16xi32>,
    %get3A_1007 = vector.shape_cast %get3A_1006 : vector<16xi32> to vector<16xi32>
    %shift_left3A_1008 = arith.constant 17 : i32
    %shift_left3A_1009 = vector.broadcast %shift_left3A_1008 : i32 to vector<16xi32>
    %shift_left3A_1010 = arith.shli %get3A_1007, %shift_left3A_1009 : vector<16xi32>
    %shift_left3A_1011 = arith.constant 7 : i32
    %shift_left3A_1012 = vector.broadcast %shift_left3A_1011 : i32 to vector<16xi32>
    %shift_left3A_1013 = arith.shli %get3A_1001, %shift_left3A_1012 : vector<16xi32>
    %add3A_1014 = arith.addi %shift_left3A_1010, %shift_left3A_1013 : vector<16xi32>
    %shift_right_arithmetic3A_1015 = arith.constant 3 : i32
    %shift_right_arithmetic3A_1016 = vector.broadcast %shift_right_arithmetic3A_1015 : i32 to vector<16xi32>
    %shift_right_arithmetic3A_1017 = arith.shrsi %get3A_1001, %shift_right_arithmetic3A_1016 : vector<16xi32>
    %shift_left3A_1018 = arith.constant 10 : i32
    %shift_left3A_1019 = vector.broadcast %shift_left3A_1018 : i32 to vector<16xi32>
    %shift_left3A_1020 = arith.shli %shift_right_arithmetic3A_1017, %shift_left3A_1019 : vector<16xi32>
    %add3A_1021 = arith.addi %add3A_1014, %shift_left3A_1020 : vector<16xi32>
    %add3A_1022 = arith.addi %add3A_1021, %get3A_1004 : vector<16xi32>
    %shift_right_arithmetic3A_1023 = arith.constant 7 : i32
    %shift_right_arithmetic3A_1024 = vector.broadcast %shift_right_arithmetic3A_1023 : i32 to vector<16xi32>
    %shift_right_arithmetic3A_1025 = arith.shrsi %get3A_1004, %shift_right_arithmetic3A_1024 : vector<16xi32>
    %mul3A_1026 = arith.constant 896 : i32
    %mul3A_1027 = vector.broadcast %mul3A_1026 : i32 to vector<16xi32>
    %mul3A_1028 = arith.muli %shift_right_arithmetic3A_1025, %mul3A_1027 : vector<16xi32>
    %add3A_1029 = arith.addi %add3A_1022, %mul3A_1028 : vector<16xi32>
    %swap3A_1030 = arith.constant 192 : index
    %swap3A_1031 = tpu.vector_load %arg10[%swap3A_1030] {strides = array<i32>} : memref<256xi32, #tpu.memory_space<vmem>>, vector<16xi32>,
    %swap3A_1032 = vector.shape_cast %swap3A_1031 : vector<16xi32> to vector<16xi32>
    %swap3A_1033 = vector.shape_cast %add3A_1029 : vector<16xi32> to vector<16xi32>
    tpu.vector_store %arg10[%swap3A_1030], %swap3A_1033 {strides = array<i32>} : memref<256xi32, #tpu.memory_space<vmem>>, vector<16xi32>,
    %get3A_1034 = arith.constant 464 : index
    %get3A_1035 = tpu.vector_load %arg8[%get3A_1034] {strides = array<i32>} : memref<512xi32, #tpu.memory_space<vmem>>, vector<16xi32>,
    %get3A_1036 = vector.shape_cast %get3A_1035 : vector<16xi32> to vector<16xi32>
    %get3A_1037 = arith.constant 208 : index
    %get3A_1038 = tpu.vector_load %arg10[%get3A_1037] {strides = array<i32>} : memref<256xi32, #tpu.memory_space<vmem>>, vector<16xi32>,
    %get3A_1039 = vector.shape_cast %get3A_1038 : vector<16xi32> to vector<16xi32>
    %get3A_1040 = arith.constant 464 : index
    %get3A_1041 = tpu.vector_load %arg7[%get3A_1040] {strides = array<i32>} : memref<512xi32, #tpu.memory_space<vmem>>, vector<16xi32>,
    %get3A_1042 = vector.shape_cast %get3A_1041 : vector<16xi32> to vector<16xi32>
    %shift_left3A_1043 = arith.constant 17 : i32
    %shift_left3A_1044 = vector.broadcast %shift_left3A_1043 : i32 to vector<16xi32>
    %shift_left3A_1045 = arith.shli %get3A_1042, %shift_left3A_1044 : vector<16xi32>
    %shift_left3A_1046 = arith.constant 7 : i32
    %shift_left3A_1047 = vector.broadcast %shift_left3A_1046 : i32 to vector<16xi32>
    %shift_left3A_1048 = arith.shli %get3A_1036, %shift_left3A_1047 : vector<16xi32>
    %add3A_1049 = arith.addi %shift_left3A_1045, %shift_left3A_1048 : vector<16xi32>
    %shift_right_arithmetic3A_1050 = arith.constant 3 : i32
    %shift_right_arithmetic3A_1051 = vector.broadcast %shift_right_arithmetic3A_1050 : i32 to vector<16xi32>
    %shift_right_arithmetic3A_1052 = arith.shrsi %get3A_1036, %shift_right_arithmetic3A_1051 : vector<16xi32>
    %shift_left3A_1053 = arith.constant 10 : i32
    %shift_left3A_1054 = vector.broadcast %shift_left3A_1053 : i32 to vector<16xi32>
    %shift_left3A_1055 = arith.shli %shift_right_arithmetic3A_1052, %shift_left3A_1054 : vector<16xi32>
    %add3A_1056 = arith.addi %add3A_1049, %shift_left3A_1055 : vector<16xi32>
    %add3A_1057 = arith.addi %add3A_1056, %get3A_1039 : vector<16xi32>
    %shift_right_arithmetic3A_1058 = arith.constant 7 : i32
    %shift_right_arithmetic3A_1059 = vector.broadcast %shift_right_arithmetic3A_1058 : i32 to vector<16xi32>
    %shift_right_arithmetic3A_1060 = arith.shrsi %get3A_1039, %shift_right_arithmetic3A_1059 : vector<16xi32>
    %mul3A_1061 = arith.constant 896 : i32
    %mul3A_1062 = vector.broadcast %mul3A_1061 : i32 to vector<16xi32>
    %mul3A_1063 = arith.muli %shift_right_arithmetic3A_1060, %mul3A_1062 : vector<16xi32>
    %add3A_1064 = arith.addi %add3A_1057, %mul3A_1063 : vector<16xi32>
    %swap3A_1065 = arith.constant 208 : index
    %swap3A_1066 = tpu.vector_load %arg10[%swap3A_1065] {strides = array<i32>} : memref<256xi32, #tpu.memory_space<vmem>>, vector<16xi32>,
    %swap3A_1067 = vector.shape_cast %swap3A_1066 : vector<16xi32> to vector<16xi32>
    %swap3A_1068 = vector.shape_cast %add3A_1064 : vector<16xi32> to vector<16xi32>
    tpu.vector_store %arg10[%swap3A_1065], %swap3A_1068 {strides = array<i32>} : memref<256xi32, #tpu.memory_space<vmem>>, vector<16xi32>,
    %get3A_1069 = arith.constant 480 : index
    %get3A_1070 = tpu.vector_load %arg8[%get3A_1069] {strides = array<i32>} : memref<512xi32, #tpu.memory_space<vmem>>, vector<16xi32>,
    %get3A_1071 = vector.shape_cast %get3A_1070 : vector<16xi32> to vector<16xi32>
    %get3A_1072 = arith.constant 224 : index
    %get3A_1073 = tpu.vector_load %arg10[%get3A_1072] {strides = array<i32>} : memref<256xi32, #tpu.memory_space<vmem>>, vector<16xi32>,
    %get3A_1074 = vector.shape_cast %get3A_1073 : vector<16xi32> to vector<16xi32>
    %get3A_1075 = arith.constant 480 : index
    %get3A_1076 = tpu.vector_load %arg7[%get3A_1075] {strides = array<i32>} : memref<512xi32, #tpu.memory_space<vmem>>, vector<16xi32>,
    %get3A_1077 = vector.shape_cast %get3A_1076 : vector<16xi32> to vector<16xi32>
    %shift_left3A_1078 = arith.constant 17 : i32
    %shift_left3A_1079 = vector.broadcast %shift_left3A_1078 : i32 to vector<16xi32>
    %shift_left3A_1080 = arith.shli %get3A_1077, %shift_left3A_1079 : vector<16xi32>
    %shift_left3A_1081 = arith.constant 7 : i32
    %shift_left3A_1082 = vector.broadcast %shift_left3A_1081 : i32 to vector<16xi32>
    %shift_left3A_1083 = arith.shli %get3A_1071, %shift_left3A_1082 : vector<16xi32>
    %add3A_1084 = arith.addi %shift_left3A_1080, %shift_left3A_1083 : vector<16xi32>
    %shift_right_arithmetic3A_1085 = arith.constant 3 : i32
    %shift_right_arithmetic3A_1086 = vector.broadcast %shift_right_arithmetic3A_1085 : i32 to vector<16xi32>
    %shift_right_arithmetic3A_1087 = arith.shrsi %get3A_1071, %shift_right_arithmetic3A_1086 : vector<16xi32>
    %shift_left3A_1088 = arith.constant 10 : i32
    %shift_left3A_1089 = vector.broadcast %shift_left3A_1088 : i32 to vector<16xi32>
    %shift_left3A_1090 = arith.shli %shift_right_arithmetic3A_1087, %shift_left3A_1089 : vector<16xi32>
    %add3A_1091 = arith.addi %add3A_1084, %shift_left3A_1090 : vector<16xi32>
    %add3A_1092 = arith.addi %add3A_1091, %get3A_1074 : vector<16xi32>
    %shift_right_arithmetic3A_1093 = arith.constant 7 : i32
    %shift_right_arithmetic3A_1094 = vector.broadcast %shift_right_arithmetic3A_1093 : i32 to vector<16xi32>
    %shift_right_arithmetic3A_1095 = arith.shrsi %get3A_1074, %shift_right_arithmetic3A_1094 : vector<16xi32>
    %mul3A_1096 = arith.constant 896 : i32
    %mul3A_1097 = vector.broadcast %mul3A_1096 : i32 to vector<16xi32>
    %mul3A_1098 = arith.muli %shift_right_arithmetic3A_1095, %mul3A_1097 : vector<16xi32>
    %add3A_1099 = arith.addi %add3A_1092, %mul3A_1098 : vector<16xi32>
    %swap3A_1100 = arith.constant 224 : index
    %swap3A_1101 = tpu.vector_load %arg10[%swap3A_1100] {strides = array<i32>} : memref<256xi32, #tpu.memory_space<vmem>>, vector<16xi32>,
    %swap3A_1102 = vector.shape_cast %swap3A_1101 : vector<16xi32> to vector<16xi32>
    %swap3A_1103 = vector.shape_cast %add3A_1099 : vector<16xi32> to vector<16xi32>
    tpu.vector_store %arg10[%swap3A_1100], %swap3A_1103 {strides = array<i32>} : memref<256xi32, #tpu.memory_space<vmem>>, vector<16xi32>,
    %get3A_1104 = arith.constant 496 : index
    %get3A_1105 = tpu.vector_load %arg8[%get3A_1104] {strides = array<i32>} : memref<512xi32, #tpu.memory_space<vmem>>, vector<16xi32>,
    %get3A_1106 = vector.shape_cast %get3A_1105 : vector<16xi32> to vector<16xi32>
    %get3A_1107 = arith.constant 240 : index
    %get3A_1108 = tpu.vector_load %arg10[%get3A_1107] {strides = array<i32>} : memref<256xi32, #tpu.memory_space<vmem>>, vector<16xi32>,
    %get3A_1109 = vector.shape_cast %get3A_1108 : vector<16xi32> to vector<16xi32>
    %get3A_1110 = arith.constant 496 : index
    %get3A_1111 = tpu.vector_load %arg7[%get3A_1110] {strides = array<i32>} : memref<512xi32, #tpu.memory_space<vmem>>, vector<16xi32>,
    %get3A_1112 = vector.shape_cast %get3A_1111 : vector<16xi32> to vector<16xi32>
    %shift_left3A_1113 = arith.constant 17 : i32
    %shift_left3A_1114 = vector.broadcast %shift_left3A_1113 : i32 to vector<16xi32>
    %shift_left3A_1115 = arith.shli %get3A_1112, %shift_left3A_1114 : vector<16xi32>
    %shift_left3A_1116 = arith.constant 7 : i32
    %shift_left3A_1117 = vector.broadcast %shift_left3A_1116 : i32 to vector<16xi32>
    %shift_left3A_1118 = arith.shli %get3A_1106, %shift_left3A_1117 : vector<16xi32>
    %add3A_1119 = arith.addi %shift_left3A_1115, %shift_left3A_1118 : vector<16xi32>
    %shift_right_arithmetic3A_1120 = arith.constant 3 : i32
    %shift_right_arithmetic3A_1121 = vector.broadcast %shift_right_arithmetic3A_1120 : i32 to vector<16xi32>
    %shift_right_arithmetic3A_1122 = arith.shrsi %get3A_1106, %shift_right_arithmetic3A_1121 : vector<16xi32>
    %shift_left3A_1123 = arith.constant 10 : i32
    %shift_left3A_1124 = vector.broadcast %shift_left3A_1123 : i32 to vector<16xi32>
    %shift_left3A_1125 = arith.shli %shift_right_arithmetic3A_1122, %shift_left3A_1124 : vector<16xi32>
    %add3A_1126 = arith.addi %add3A_1119, %shift_left3A_1125 : vector<16xi32>
    %add3A_1127 = arith.addi %add3A_1126, %get3A_1109 : vector<16xi32>
    %shift_right_arithmetic3A_1128 = arith.constant 7 : i32
    %shift_right_arithmetic3A_1129 = vector.broadcast %shift_right_arithmetic3A_1128 : i32 to vector<16xi32>
    %shift_right_arithmetic3A_1130 = arith.shrsi %get3A_1109, %shift_right_arithmetic3A_1129 : vector<16xi32>
    %mul3A_1131 = arith.constant 896 : i32
    %mul3A_1132 = vector.broadcast %mul3A_1131 : i32 to vector<16xi32>
    %mul3A_1133 = arith.muli %shift_right_arithmetic3A_1130, %mul3A_1132 : vector<16xi32>
    %add3A_1134 = arith.addi %add3A_1127, %mul3A_1133 : vector<16xi32>
    %swap3A_1135 = arith.constant 240 : index
    %swap3A_1136 = tpu.vector_load %arg10[%swap3A_1135] {strides = array<i32>} : memref<256xi32, #tpu.memory_space<vmem>>, vector<16xi32>,
    %swap3A_1137 = vector.shape_cast %swap3A_1136 : vector<16xi32> to vector<16xi32>
    %swap3A_1138 = vector.shape_cast %add3A_1134 : vector<16xi32> to vector<16xi32>
    tpu.vector_store %arg10[%swap3A_1135], %swap3A_1138 {strides = array<i32>} : memref<256xi32, #tpu.memory_space<vmem>>, vector<16xi32>,
    %dma_start3A_1139 = arith.constant 0 : i32
    %dma_start3A_1140 = tpu.memref_slice %arg5[%dma_start3A_1139] : memref<67108864xf32, #tpu.memory_space<hbm>> -> memref<67108864xf32, #tpu.memory_space<hbm>>
    tpu.enqueue_indirect_dma source(%dma_start3A_1140 : memref<67108864xf32, #tpu.memory_space<hbm>>) target(%arg12 : memref<256xf32, #tpu.memory_space<vmem>>) offsets(%arg10 : memref<256xi32, #tpu.memory_space<vmem>>) semaphore(%arg13 : memref<!tpu.dma_semaphore, #tpu.memory_space<semaphore_mem>>)
    %dma_wait3A_1141 = arith.constant 0 : i32
    %dma_wait3A_1142 = tpu.memref_slice %arg5[%dma_wait3A_1141] : memref<67108864xf32, #tpu.memory_space<hbm>> -> memref<67108864xf32, #tpu.memory_space<hbm>>
    tpu.wait_indirect_dma semaphore(%arg13 : memref<!tpu.dma_semaphore, #tpu.memory_space<semaphore_mem>>) src(%dma_wait3A_1142 : memref<67108864xf32, #tpu.memory_space<hbm>>) dst(%arg11 : memref<256xf32, #tpu.memory_space<vmem>>)
    %add3A_1143 = arith.constant 0 : i32
    %add3A_1144 = arith.addi %mul3A_2, %add3A_1143 : i32
    %dma_start3A_1145 = tpu.memref_slice %arg6[%add3A_1144] : memref<16384xf32, #tpu.memory_space<hbm>> -> memref<256xf32, #tpu.memory_space<hbm>>
    %dma_start3A_1146 = tpu.memref_slice %arg6[%add3A_1144] : memref<16384xf32, #tpu.memory_space<hbm>> -> memref<256xf32, #tpu.memory_space<hbm>>
    tpu.enqueue_dma source(%arg11 : memref<256xf32, #tpu.memory_space<vmem>>) target(%dma_start3A_1146 : memref<256xf32, #tpu.memory_space<hbm>>) target_semaphore(%arg14 : memref<!tpu.dma_semaphore, #tpu.memory_space<semaphore_mem>>)
    %dma_wait3A_1147 = arith.constant 0 : i32
    %dma_wait3A_1148 = tpu.memref_slice %arg5[%dma_wait3A_1147] : memref<67108864xf32, #tpu.memory_space<hbm>> -> memref<67108864xf32, #tpu.memory_space<hbm>>
    tpu.wait_indirect_dma semaphore(%arg13 : memref<!tpu.dma_semaphore, #tpu.memory_space<semaphore_mem>>) src(%dma_wait3A_1148 : memref<67108864xf32, #tpu.memory_space<hbm>>) dst(%arg12 : memref<256xf32, #tpu.memory_space<vmem>>)
    %add3A_1149 = arith.constant 256 : i32
    %add3A_1150 = arith.addi %mul3A_2, %add3A_1149 : i32
    %dma_start3A_1151 = tpu.memref_slice %arg6[%add3A_1150] : memref<16384xf32, #tpu.memory_space<hbm>> -> memref<256xf32, #tpu.memory_space<hbm>>
    %dma_start3A_1152 = tpu.memref_slice %arg6[%add3A_1150] : memref<16384xf32, #tpu.memory_space<hbm>> -> memref<256xf32, #tpu.memory_space<hbm>>
    tpu.enqueue_dma source(%arg12 : memref<256xf32, #tpu.memory_space<vmem>>) target(%dma_start3A_1152 : memref<256xf32, #tpu.memory_space<hbm>>) target_semaphore(%arg14 : memref<!tpu.dma_semaphore, #tpu.memory_space<semaphore_mem>>)
    %dma_wait3A_1153 = tpu.memref_slice %arg6[%add3A_1144] : memref<16384xf32, #tpu.memory_space<hbm>> -> memref<256xf32, #tpu.memory_space<hbm>>
    %dma_wait3A_1154 = tpu.memref_slice %arg6[%add3A_1144] : memref<16384xf32, #tpu.memory_space<hbm>> -> memref<256xf32, #tpu.memory_space<hbm>>
    tpu.wait_dma2 semaphore(%arg14 : memref<!tpu.dma_semaphore, #tpu.memory_space<semaphore_mem>>) src(%arg11 : memref<256xf32, #tpu.memory_space<vmem>>) dst(%dma_wait3A_1154 : memref<256xf32, #tpu.memory_space<hbm>>)
    %dma_wait3A_1155 = tpu.memref_slice %arg6[%add3A_1150] : memref<16384xf32, #tpu.memory_space<hbm>> -> memref<256xf32, #tpu.memory_space<hbm>>
    %dma_wait3A_1156 = tpu.memref_slice %arg6[%add3A_1150] : memref<16384xf32, #tpu.memory_space<hbm>> -> memref<256xf32, #tpu.memory_space<hbm>>
    tpu.wait_dma2 semaphore(%arg14 : memref<!tpu.dma_semaphore, #tpu.memory_space<semaphore_mem>>) src(%arg12 : memref<256xf32, #tpu.memory_space<vmem>>) dst(%dma_wait3A_1156 : memref<256xf32, #tpu.memory_space<hbm>>)
    return
  }
}

</mosaic_0001>

<sc_bundles>
// kernel: _gather.3.cloned.1.call-start
scs
__scs_entry_jumppad:
0x0: {  	(pc) =	sbr.rel $0x88, $3  }
0x1: {  	(tag) =	ssettag $0x0;
	lr =	simm.s32 $0x1  }
0x2: {  	[smem:$0x3F9D] =	sst lr;
	_ =	strace $0xD0000000  }
0x3: {  	_ = 	snop  }
0x4: {  	_ = 	snop  }
0x5: {  	_ = 	snop  }
0x6: {  	_ = 	snop  }
0x7: {  	_ = 	snop  }
__scs_overlays_trampoline_lowered:
0x8: {  	[smem:$0x3FAC] =	sst s0  }
0x9: {  	[smem:$0x3FAD] =	sst s1  }
0xa: {  	[smem:$0x3FAE] =	sst s2  }
0xb: {  	[smem:$0x3FAF] =	sst s3  }
0xc: {  	[smem:$0x3FB0] =	sst s4  }
0xd: {  	[smem:$0x3FB1] =	sst s5  }
0xe: {  	[smem:$0x3FB2] =	sst s6  }
0xf: {  	[smem:$0x3FB3] =	sst s7  }
0x10: {  	[smem:$0x3FB4] =	sst s8  }
0x11: {  	[smem:$0x3FB5] =	sst s9;
	s0 =	simm.s32 @!p0 $0x0  }
0x12: {  	s1 =	sld [smem:$0x3F9B];
	s0 =	simm.s32 @p0 $0x1  }
0x13: {  	[smem:$0x3FB6] =	sst s0;
	s0 =	simm.s32 @!p1 $0x0  }
0x14: {  	s2 =	sld [smem:$0x3F9A];
	s0 =	simm.s32 @p1 $0x1  }
0x15: {  	[smem:$0x3FB7] =	sst s0;
	s0 =	simm.s32 @!p2 $0x0  }
0x16: {  	s3 =	sld [smem:$0x3FDB];
	s0 =	simm.s32 @p2 $0x1  }
0x17: {  	s4 =	simm.s32 $0x1BF5;
	[smem:$0x3FB9] =	sst s0  }
0x18: {  	s0 =	sld [smem:$0x3F9C];
	_ =	swait.ge [sflag:s4], $0x0  }
0x19: {  	s7 =	sld [smem:$0x3F9D]  }
0x1a: {  	s8 =	sadd.s32 $0xFFFFE003, lr  }
0x1b: {  	s9 =	sadd.s32 $0xFFFFFEF7, lr;
	s5 =	simm.s32 $0xFFFFFFFF;
	p2 =	slt.u32 s8, $0xFFFFF086  }
0x1c: {  	p1 =	slt.u32 s9, $0xF7A;
	s5 =	simm.s32 @!p2 $0x0  }
0x1d: {  	s5 =	simm.s32 @p1 $0x1;
	p0 =	seq.s32 s7, s2  }
0x1e: {  	s7 =	smul.u32 @!p0 $0xF7A, s2;
	p2 =	seq.s32 @!p0 s5, $0x0  }
0x1f: {  	s9 =	smul.u32 $0xF7A, s1;
	s8 =	simm.s32 @!p0 $0x1BF5;
	p2 =	por !p2, p0  }
0x20: {  	[sflag:s8] =	ssyncset.s32 @!p0 $0xFFFFF086;
	s6 =	sadd.s32 @!p0 s3, s7;
	s7 =	simm.s32 @!p0 $0x108  }
0x21: {  	s3 =	sadd.s32 s3, s9;
	s6 =	sadd.s32 @!p0 $0x88, s6;
	s7 =	simm.s32 @p2 $0x1082  }
0x22: {  	[simem:s7], [sflag:s8] =	dma.local @!p0 [hbm:s6], $0xF7A  }
0x23: {  	s9 =	sor.u32 $0xD0000000, s2;
	s6 =	simm.s32 $0x108;
	_ =	swait.ge @!p0 [sflag:s8], $0x0  }
0x24: {  	s3 =	sadd.s32 $0x88, s3;
	s6 =	simm.s32 @!p1 $0x1082;
	[sflag:s4] =	ssyncset.s32 $0xFFFFF086  }
0x25: {  	[simem:s6], [sflag:s4] =	dma.local [hbm:s3], $0xF7A  }
0x26: {  	[smem:$0x3F9D] =	sst s1;
	(tag) =	ssettag s2;
	_ =	strace s9  }
0x27: {  	s1 =	sld [smem:$0x3FAD]  }
0x28: {  	s2 =	sld [smem:$0x3FAE]  }
0x29: {  	s4 =	sld [smem:$0x3FB0]  }
0x2a: {  	p0 =	seq.s32 s5, $0x0;
	s5 =	sld [smem:$0x3FB1]  }
0x2b: {  	s6 =	sld [smem:$0x3FB2]  }
0x2c: {  	s7 =	sld [smem:$0x3FB3]  }
0x2d: {  	s3 =	simm.s32 $0x108;
	s8 =	sld [smem:$0x3FB4]  }
0x2e: {  	s3 =	simm.s32 @!p0 $0x1082;
	s9 =	sld [smem:$0x3FB5]  }
0x2f: {  	lr =	sadd.s32 s0, s3;
	s0 =	sld [smem:$0x3FAC]  }
0x30: {  	s3 =	sld [smem:$0x3FAF]  }
0x31: {  	[smem:$0x3FB8] =	sst s10  }
0x32: {  	s10 =	sld [smem:$0x3FB6];
	_ =	sdelay $0x3  }
0x33: {  	p0 =	seq.s32 s10, $0x1;
	s10 =	sld [smem:$0x3FB8];
	_ =	sdelay $0x3  }
0x34: {  	[smem:$0x3FB8] =	sst s10  }
0x35: {  	s10 =	sld [smem:$0x3FB7];
	_ =	sdelay $0x3  }
0x36: {  	p1 =	seq.s32 s10, $0x1;
	s10 =	sld [smem:$0x3FB8];
	_ =	sdelay $0x3  }
0x37: {  	[smem:$0x3FB8] =	sst s10  }
0x38: {  	s10 =	sld [smem:$0x3FB9]  }
0x39: {  	_ = 	snop;
	(pc) =	sbr.ind lr, $3  }
0x3a: {  	_ = 	snop  }
0x3b: {  	_ = 	snop  }
0x3c: {  	p2 =	seq.s32 s10, $0x1;
	s10 =	sld [smem:$0x3FB8]  }
0x3d: {  	_ =	shalt  }
0x3e: {  	_ =	shalt  }
0x3f: {  	_ =	shalt  }
0x40: {  	_ =	shalt  }
0x41: {  	_ =	shalt  }
0x42: {  	_ =	shalt  }
0x43: {  	_ =	shalt  }
0x44: {  	_ =	shalt  }
0x45: {  	_ =	shalt  }
0x46: {  	_ =	shalt  }
0x47: {  	_ =	shalt  }
0x48: {  	_ =	shalt  }
0x49: {  	_ =	shalt  }
0x4a: {  	_ =	shalt  }
0x4b: {  	_ =	shalt  }
0x4c: {  	_ =	shalt  }
0x4d: {  	_ =	shalt  }
0x4e: {  	_ =	shalt  }
0x4f: {  	_ =	shalt  }
0x50: {  	_ =	shalt  }
0x51: {  	_ =	shalt  }
0x52: {  	_ =	shalt  }
0x53: {  	_ =	shalt  }
0x54: {  	_ =	shalt  }
0x55: {  	_ =	shalt  }
0x56: {  	_ =	shalt  }
0x57: {  	_ =	shalt  }
0x58: {  	_ =	shalt  }
0x59: {  	_ =	shalt  }
0x5a: {  	_ =	shalt  }
0x5b: {  	_ =	shalt  }
0x5c: {  	_ =	shalt  }
0x5d: {  	_ =	shalt  }
0x5e: {  	_ =	shalt  }
0x5f: {  	_ =	shalt  }
0x60: {  	_ =	shalt  }
0x61: {  	_ =	shalt  }
0x62: {  	_ =	shalt  }
0x63: {  	_ =	shalt  }
0x64: {  	_ =	shalt  }
0x65: {  	_ =	shalt  }
0x66: {  	_ =	shalt  }
0x67: {  	_ =	shalt  }
0x68: {  	_ =	shalt  }
0x69: {  	_ =	shalt  }
0x6a: {  	_ =	shalt  }
0x6b: {  	_ =	shalt  }
0x6c: {  	_ =	shalt  }
0x6d: {  	_ =	shalt  }
0x6e: {  	_ =	shalt  }
0x6f: {  	_ =	shalt  }
0x70: {  	_ =	shalt  }
0x71: {  	_ =	shalt  }
0x72: {  	_ =	shalt  }
0x73: {  	_ =	shalt  }
0x74: {  	_ =	shalt  }
0x75: {  	_ =	shalt  }
0x76: {  	_ =	shalt  }
0x77: {  	_ =	shalt  }
0x78: {  	_ =	shalt  }
0x79: {  	_ =	shalt  }
0x7a: {  	_ =	shalt  }
0x7b: {  	_ =	shalt  }
0x7c: {  	_ =	shalt  }
0x7d: {  	_ =	shalt  }
0x7e: {  	_ =	shalt  }
0x7f: {  	_ =	shalt  }
0x80: {  	_ =	shalt  }
0x81: {  	_ =	shalt  }
0x82: {  	_ =	shalt  }
0x83: {  	_ =	shalt  }
0x84: {  	_ =	shalt  }
0x85: {  	_ =	shalt  }
0x86: {  	_ =	shalt  }
0x87: {  	_ =	shalt  }
.Lfunc_end0:
.L_simem_size_0:
called_computation_lowered:
.L_overlay_start_0:
0x88: {  	s2 =	sld [smem:$0x3FD9]  }
0x89: {  	s3 =	sld [smem:$0x3FFE];
	_ =	sdelay $0x1  }
0x8a: {  	s1 =	srdreg.scid  }
0x8b: {  	s0 =	sand.u32 $0x1, s1  }
0x8c: {  	s18 =	sshll.u32 s0, $0xA;
	s2 =	sadd.s32 s3, s2  }
0x8d: {  	s2 =	sadd.s32 s2, s18  }
0x8e: {  	[smem:$0x3FC4] =	sst s2  }
0x8f: {  	_ = 	snop  }
0x90: {  	s2 =	sld [smem:$0x3FC9]  }
0x91: {  	s19 =	sld [smem:$0x3FC8]  }
0x92: {  	s4 =	sld [smem:$0x3FC7]  }
0x93: {  	s5 =	sld [smem:$0x3FC6]  }
0x94: {  	s6 =	sld [smem:$0x3FD0];
	(tm) =	ssettm $0x1  }
0x95: {  	s7 =	sld [smem:$0x3FFB];
	_ =	sdelay $0x3  }
0x96: {  	_ =	strace s7  }
0x97: {  	s7 =	sld [smem:$0x3FFC];
	_ =	sdelay $0x3  }
0x98: {  	_ =	strace s7  }
0x99: {  	s7 =	sld [smem:$0x3FFD];
	_ =	sdelay $0x3  }
0x9a: {  	_ =	strace s7  }
0x9b: {  	_ =	strace $0x8FFFFFFF  }
0x9c: {  	s20 =	sld [smem:$0x3FDB];
	_ =	sdelay $0x1  }
0x9d: {  	s8 =	simm.s32 $_scs_section_size  }
0x9e: {  	s9 =	simm.s32 $_size__tile_overlayer_lowered;
	s10 =	simm.s32 $_tile_overlayer_lowered  }
0x9f: {  	s23 =	simm.s32 $0x1BFF;
	s22 =	sshll.u32 s10, $0x1;
	s7 =	sadd.s32 s8, s20  }
0xa0: {  	s11 =	simm.s32 $0x0;
	s21 =	sshll.u32 s9, $0x1;
	s9 =	sadd.s32 s22, s7  }
0xa1: {  	[timem:s11], [sflag:s23] =	dma.local [hbm:s9], s21  }
0xa2: {  	_ =	swait.ge [sflag:s23], s21  }
0xa3: {  	s8 =	ssub.s32 $0x0, s21;
	[sflag:s23] =	ssyncset.done $0x0  }
0xa4: {  	[sflag:s23] =	ssyncadd.s32 s8;
	_ =	sdelay $0x1  }
0xa5: {  	s24 =	simm.s32 $0x1B8B  }
0xa6: {  	_ =	swait.ge [sflag:s24], $0x1  }
0xa7: {  	[sflag:s24] =	ssyncset.done $0x0  }
0xa8: {  	s25 =	simm.s32 $0x1B8E;
	[sflag:s24] =	ssyncadd.s32 $0xFFFFFFFF  }
0xa9: {  	s26 =	simm.s32 $execute0_lowered;
	[smem:$0x3FD2] =	sst s25  }
0xaa: {  	s8 =	sshll.u32 s26, $0x1;
	_ =	strace $0x80000046;
	[dreg:$0x1] =	wrdreg $0xFFFFFFFF  }
0xab: {  	s28 =	simm.s32 $_size_execute0_lowered;
	s7 =	sadd.s32 s7, s8;
	[dreg:$0x0] =	wrdreg $0x0  }
0xac: {  	s8 =	sshll.u32 s28, $0x1;
	[dreg:$0x2] =	wrdreg s7  }
0xad: {  	[dreg:$0x3] =	wrdreg s8  }
0xae: {  	[dreg:$0x4] =	wrdreg $0xC0  }
0xaf: {  	_ =	task [dreg:s11], $0x5FFFF  }
0xb0: {  	[dreg:$0x1] =	wrdreg $0xFFFFFFFF  }
0xb1: {  	[dreg:$0x0] =	wrdreg $0x60  }
0xb2: {  	[dreg:$0x2] =	wrdreg s2  }
0xb3: {  	[dreg:$0x3] =	wrdreg s19  }
0xb4: {  	[dreg:$0x4] =	wrdreg s4  }
0xb5: {  	[dreg:$0x5] =	wrdreg s5  }
0xb6: {  	[dreg:$0x6] =	wrdreg s6  }
0xb7: {  	[dreg:$0x7] =	wrdreg $0x9  }
0xb8: {  	_ =	task.clear_ibuf [dreg:s11], $0x8FFFF;
	_ =	strace $0x90000046  }
0xb9: {  	s29 =	simm.s32 $0x9;
	_ =	strace $0x80000048  }
0xba: {  	_ =	swait.ge [sflag:s29], $0x1  }
0xbb: {  	[sflag:s29] =	ssyncadd.s32 $0xFFFFFFFF  }
0xbc: {  	_ =	strace $0x90000048  }
0xbd: {  	_ =	sfence  }
0xbe: {  	s30 =	sld [smem:$0x0];
	_ =	sdelay $0x2  }
0xbf: {  	s31 =	sshll.u32 s1, $0xD;
	s1 =	sshrl.u32 s1, $0x2  }
0xc0: {  	s3 =	sand.u32 $0x4000, s31;
	s1 =	sadd.s32 s1, s30  }
0xc1: {  	s0 =	sor.u32 s3, s0;
	s1 =	sshll.u32 s1, $0x11  }
0xc2: {  	s0 =	sor.u32 s1, s0  }
0xc3: {  	s0 =	sadd.s32 $0x8F2B, s0  }
0xc4: {  	[sflag:s0] =	ssyncadd.remote.s32 $0x1  }
0xc5: {  	_ =	sfence.sel $0xFFFF  }
0xc6: {  	[dreg:$0x0] =	wrdreg $0xFFFFFFFF;
	(pc) =	sbr.abs _section_cstart, $3  }
0xc7: {  	[dreg:$0x1] =	wrdreg $0xFFFFFFFF  }
0xc8: {  	_ =	task.clear_ibuf [dreg:s11], $0x2FFFF;
	_ =	strace $0x9FFFFFFF  }
0xc9: {  	(tm) =	ssettm $0x7FFFFFFF  }
tec
execute0_lowered:
.L_overlay_start_1:
0x0: {  	(tag) =	ssettag $0x1  }
0x1: {  	s4 =	rddreg [dreg:$0x0]  }
0x2: {  	s5 =	rddreg [dreg:$0x1]  }
0x3: {  	s7 =	rddreg [dreg:$0x2]  }
0x4: {  	s1 =	rddreg [dreg:$0x3]  }
0x5: {  	s9 =	rddreg [dreg:$0x4]  }
0x6: {  	s0 =	rddreg [dreg:$0x5];
	s6 =	srdreg.scid  }
0x7: {  	s3 =	simm.s32 $0x0;
	s2 =	stileid.u32;
	s13 =	simm.s32 $0x500  }
0x8: {  	s14 =	simm.s32 $0x1;
	s15 =	simm.s32 $0x100;
	s16 =	simm.s32 $0x600  }
0x9: {  	s17 =	simm.s32 $0x700;
	s18 =	simm.s32 $0x2;
	s6 =	sand.u32 $0x1, s6  }
0xa: {  	s10 =	sshll.u32 s2, $0x7;
	s8 =	ssub.s32 $0x2, s6;
	s6 =	sshll.u32 s6, $0x6  }
0xb: {  	[smem:$0x7FF] =	sst s3;
	s11 =	sshrl.u32 s8, $0x1;
	s10 =	sor.u32 s6, s10  }
0xc: {  	_ =	strace $0x80000047;
	s11 =	ssub.s32 s8, s11;
	s4 =	sadd.s32 s4, s10  }
0xd: {  	s5 =	sadd.s32 s5, s10;
	s6 =	sadd.s32 s7, s10;
	s12 =	sor.u32 $0x20, s10  }
0xe: {  	s8 =	sadd.s32 s9, s10;
	s7 =	sadd.s32 s7, s12;
	s9 =	sadd.s32 s9, s12  }
0xf: {  	s10 =	smax.u32 s11, $0x1;
	s11 =	simm.s32 $0x200;
	s12 =	simm.s32 $0x400  }
.LBB2_1:
0x10: {  	[tilespmem:s3], [sflag:$0x1] =	stream.linear.gather [hbm4b:s4+s3], $0x200, $0x38;
	[tilespmem:$0x800] =	vst v63  }
0x11: {  	_ = 	snop  }
0x12: {  	[tilespmem:s11], [sflag:$0x1] =	stream.linear.gather [hbm4b:s5+s3], $0x200, $0x38;
	[tilespmem:$0x800] =	vst v63  }
0x13: {  	_ = 	snop  }
0x14: {  	[tilespmem:s12], [sflag:$0x1] =	stream.linear.gather [hbm4b:s6+s3], $0x100, $0x38;
	[tilespmem:$0x800] =	vst v63  }
0x15: {  	_ = 	snop  }
0x16: {  	[tilespmem:s13], [sflag:$0x1] =	stream.linear.gather [hbm4b:s7+s3], $0x100, $0x38;
	[tilespmem:$0x800] =	vst v63  }
0x17: {  	_ =	swait.ge [sflag:s14], $0x200  }
0x18: {  	[sflag:s14] =	ssyncset.done $0x0  }
0x19: {  	[sflag:s14] =	ssyncadd.s32 $0xFFFFFE00  }
0x1a: {  	_ =	swait.ge [sflag:s14], $0x200  }
0x1b: {  	[sflag:s14] =	ssyncset.done $0x0  }
0x1c: {  	[sflag:s14] =	ssyncadd.s32 $0xFFFFFE00  }
0x1d: {  	_ =	swait.ge [sflag:s14], $0x100  }
0x1e: {  	[sflag:s14] =	ssyncset.done $0x0  }
0x1f: {  	[sflag:s14] =	ssyncadd.s32 $0xFFFFFF00  }
0x20: {  	_ =	swait.ge [sflag:s14], $0x100  }
0x21: {  	[sflag:s14] =	ssyncset.done $0x0  }
0x22: {  	[sflag:s14] =	ssyncadd.s32 $0xFFFFFF00  }
0x23: {  	v0 =	vld [tilespmem:$0x200]  }
0x24: {  	v2 =	vld [tilespmem:$0x0]  }
0x25: {  	v3 =	vld [tilespmem:$0x210]  }
0x26: {  	v4 =	vld [tilespmem:$0x410]  }
0x27: {  	v5 =	vld [tilespmem:$0x10]  }
0x28: {  	v7 =	vld [tilespmem:$0x220]  }
0x29: {  	v36 =	vld [tilespmem:$0x20]  }
0x2a: {  	v37 =	vld [tilespmem:$0x230]  }
0x2b: {  	v38 =	vld [tilespmem:$0x430]  }
0x2c: {  	v42 =	vld [tilespmem:$0x240]  }
0x2d: {  	v46 =	vld [tilespmem:$0x250]  }
0x2e: {  	v47 =	vld [tilespmem:$0x450]  }
0x2f: {  	v50 =	vld [tilespmem:$0x260]  }
0x30: {  	v54 =	vld [tilespmem:$0x270]  }
0x31: {  	v55 =	vld [tilespmem:$0x470]  }
0x32: {  	v58 =	vld [tilespmem:$0x280]  }
0x33: {  	v62 =	vld [tilespmem:$0x290]  }
0x34: {  	v63 =	vld [tilespmem:$0x490]  }
0x35: {  	v22 =	vld [tilespmem:$0x2A0]  }
0x36: {  	v26 =	vld [tilespmem:$0x2B0];
	v0 =	vshll.u32 v0, $0x7;
	v2 =	vshll.u32 v2, $0x11;
	v35 =	vshll.u32 v3, $0x7  }
0x37: {  	v27 =	vld [tilespmem:$0x4B0];
	v9 =	vshrl.u32 v4, $0x7;
	v5 =	vshll.u32 v5, $0x11;
	v40 =	vshll.u32 v7, $0x7  }
0x38: {  	v1 =	vld [tilespmem:$0x400];
	v3 =	vshll.u32 v36, $0x11;
	v44 =	vshll.u32 v37, $0x7;
	v11 =	vshrl.u32 v38, $0x7  }
0x39: {  	v48 =	vshll.u32 v42, $0x7;
	v52 =	vshll.u32 v46, $0x7;
	v13 =	vshrl.u32 v47, $0x7  }
0x3a: {  	v56 =	vshll.u32 v50, $0x7;
	v60 =	vshll.u32 v54, $0x7;
	v15 =	vshrl.u32 v55, $0x7  }
0x3b: {  	v20 =	vshll.u32 v58, $0x7;
	v24 =	vshll.u32 v62, $0x7;
	v17 =	vshrl.u32 v63, $0x7  }
0x3c: {  	v34 =	vld [tilespmem:$0x420];
	v28 =	vshll.u32 v22, $0x7;
	v32 =	vshll.u32 v26, $0x7;
	v19 =	vshrl.u32 v27, $0x7  }
0x3d: {  	v41 =	vld [tilespmem:$0x30];
	v6 =	vand.u32 $0xFFFFFC00, v0;
	v0 =	vadd.s32 v0, v1;
	v1 =	vshrl.u32 v1, $0x7  }
0x3e: {  	v45 =	vld [tilespmem:$0x40];
	v8 =	vand.u32 $0xFFFFFC00, v35;
	v9 =	vmul.u32 $0x380, v9;
	v7 =	vand.u32 $0xFFFFFC00, v40  }
0x3f: {  	v29 =	vld [tilespmem:$0xB0];
	v10 =	vand.u32 $0xFFFFFC00, v44;
	v11 =	vmul.u32 $0x380, v11;
	v12 =	vand.u32 $0xFFFFFC00, v52  }
0x40: {  	v53 =	vld [tilespmem:$0x60];
	v13 =	vmul.u32 $0x380, v13;
	v14 =	vand.u32 $0xFFFFFC00, v60;
	v15 =	vmul.u32 $0x380, v15  }
0x41: {  	v43 =	vld [tilespmem:$0x440];
	v16 =	vand.u32 $0xFFFFFC00, v24;
	v17 =	vmul.u32 $0x380, v17;
	v18 =	vand.u32 $0xFFFFFC00, v32  }
0x42: {  	v37 =	vld [tilespmem:$0x4D0];
	v36 =	vmul.u32 $0x380, v19;
	v0 =	vadd.s32 v6, v0;
	v1 =	vmul.u32 $0x380, v1  }
0x43: {  	v30 =	vld [tilespmem:$0x2C0];
	v6 =	vshrl.u32 v34, $0x7;
	v0 =	vadd.s32 v2, v0;
	v2 =	vadd.s32 v35, v4  }
0x44: {  	v49 =	vld [tilespmem:$0x50];
	v6 =	vmul.u32 $0x380, v6;
	v4 =	vshll.u32 v45, $0x11;
	v35 =	vshll.u32 v29, $0x11  }
0x45: {  	v31 =	vld [tilespmem:$0x4C0];
	v2 =	vadd.s32 v8, v2;
	v0 =	vadd.s32 v1, v0;
	v8 =	vshll.u32 v53, $0x11  }
0x46: {  	v51 =	vld [tilespmem:$0x460];
	v39 =	vadd.s32 v5, v2;
	v2 =	vadd.s32 v40, v34;
	v5 =	vshll.u32 v41, $0x11  }
0x47: {  	v61 =	vld [tilespmem:$0x80];
	v50 =	vshrl.u32 v37, $0x7;
	v1 =	vadd.s32 v9, v39;
	v2 =	vadd.s32 v7, v2  }
0x48: {  	v33 =	vld [tilespmem:$0xC0];
	v9 =	vand.u32 $0xFFFFFC00, v48;
	v7 =	vshrl.u32 v43, $0x7;
	v39 =	vshll.u32 v30, $0x7  }
0x49: {  	v57 =	vld [tilespmem:$0x70];
	v53 =	vmul.u32 $0x380, v50;
	v2 =	vadd.s32 v3, v2;
	v3 =	vadd.s32 v44, v38  }
0x4a: {  	v34 =	vld [tilespmem:$0x2D0];
	v7 =	vmul.u32 $0x380, v7;
	v41 =	vand.u32 $0xFFFFFC00, v39;
	v44 =	vshrl.u32 v31, $0x7  }
0x4b: {  	v40 =	vld [tilespmem:$0xD0];
	v3 =	vadd.s32 v10, v3;
	v2 =	vadd.s32 v6, v2;
	v6 =	vshll.u32 v49, $0x11  }
0x4c: {  	v25 =	vld [tilespmem:$0xA0];
	v10 =	vshll.u32 v61, $0x11;
	v46 =	vmul.u32 $0x380, v44;
	v3 =	vadd.s32 v5, v3  }
0x4d: {  	v5 =	vadd.s32 v48, v43;
	v43 =	vshll.u32 v33, $0x11;
	v3 =	vadd.s32 v11, v3  }
0x4e: {  	v5 =	vadd.s32 v9, v5;
	v11 =	vand.u32 $0xFFFFFC00, v56;
	v9 =	vshrl.u32 v51, $0x7  }
0x4f: {  	v59 =	vld [tilespmem:$0x480];
	v4 =	vadd.s32 v4, v5;
	v5 =	vadd.s32 v52, v47;
	v9 =	vmul.u32 $0x380, v9  }
0x50: {  	v48 =	vld [tilespmem:$0xE0];
	v47 =	vshll.u32 v34, $0x7;
	v52 =	vshll.u32 v40, $0x11;
	v5 =	vadd.s32 v12, v5  }
0x51: {  	v42 =	vld [tilespmem:$0x2E0];
	v4 =	vadd.s32 v7, v4;
	v7 =	vshll.u32 v57, $0x11;
	v12 =	vshll.u32 v25, $0x11  }
0x52: {  	v21 =	vld [tilespmem:$0x90];
	[tilespmem:$0x430] =	vst v3;
	v49 =	vand.u32 $0xFFFFFC00, v47;
	v3 =	vadd.s32 v47, v37;
	v5 =	vadd.s32 v6, v5  }
0x53: {  	v45 =	vld [tilespmem:$0x4E0];
	v6 =	vadd.s32 v56, v51;
	v3 =	vadd.s32 v49, v3;
	v5 =	vadd.s32 v13, v5  }
0x54: {  	v6 =	vadd.s32 v11, v6;
	v13 =	vand.u32 $0xFFFFFC00, v20;
	v11 =	vshrl.u32 v59, $0x7  }
0x55: {  	v3 =	vadd.s32 v52, v3;
	v58 =	vshll.u32 v48, $0x11;
	v6 =	vadd.s32 v8, v6  }
0x56: {  	v23 =	vld [tilespmem:$0x4A0];
	v8 =	vadd.s32 v60, v55;
	v11 =	vmul.u32 $0x380, v11;
	v55 =	vshll.u32 v42, $0x7  }
0x57: {  	v3 =	vadd.s32 v53, v3;
	v8 =	vadd.s32 v14, v8;
	v6 =	vadd.s32 v9, v6  }
0x58: {  	[tilespmem:$0x440] =	vst v4;
	v51 =	vld [tilespmem:$0x2F0];
	v9 =	vshll.u32 v21, $0x11;
	v57 =	vand.u32 $0xFFFFFC00, v55;
	v4 =	vadd.s32 v55, v45  }
0x59: {  	v7 =	vadd.s32 v7, v8;
	v8 =	vadd.s32 v20, v59;
	v59 =	vshrl.u32 v45, $0x7  }
0x5a: {  	v54 =	vld [tilespmem:$0x4F0];
	[tilespmem:$0x400] =	vst v0;
	v4 =	vadd.s32 v57, v4;
	v7 =	vadd.s32 v15, v7;
	v8 =	vadd.s32 v13, v8  }
0x5b: {  	[tilespmem:$0x410] =	vst v1;
	v15 =	vand.u32 $0xFFFFFC00, v28;
	v13 =	vshrl.u32 v23, $0x7;
	v60 =	vmul.u32 $0x380, v59  }
0x5c: {  	[tilespmem:$0x420] =	vst v2;
	v4 =	vadd.s32 v58, v4;
	v8 =	vadd.s32 v10, v8;
	v10 =	vadd.s32 v24, v63  }
0x5d: {  	[tilespmem:$0x450] =	vst v5;
	v61 =	vshll.u32 v51, $0x7;
	v13 =	vmul.u32 $0x380, v13;
	v10 =	vadd.s32 v16, v10  }
0x5e: {  	v56 =	vld [tilespmem:$0xF0];
	[tilespmem:$0x4D0] =	vst v3;
	v62 =	vand.u32 $0xFFFFFC00, v61;
	v9 =	vadd.s32 v9, v10;
	v10 =	vadd.s32 v28, v23  }
0x5f: {  	[tilespmem:$0x460] =	vst v6;
	v63 =	vshrl.u32 v54, $0x7;
	v5 =	vadd.s32 v61, v54;
	v10 =	vadd.s32 v15, v10  }
0x60: {  	[tilespmem:$0x470] =	vst v7;
	v8 =	vadd.s32 v11, v8;
	v10 =	vadd.s32 v12, v10;
	v12 =	vadd.s32 v32, v27  }
0x61: {  	v1 =	vadd.s32 v60, v4;
	[tilespmem:$0x480] =	vst v8;
	v9 =	vadd.s32 v17, v9;
	v12 =	vadd.s32 v18, v12  }
0x62: {  	[tilespmem:$0x4E0] =	vst v1;
	v38 =	vadd.s32 v13, v10;
	v10 =	vadd.s32 v39, v31;
	v0 =	vadd.s32 v35, v12  }
0x63: {  	v11 =	vshll.u32 v56, $0x11;
	[tilespmem:$0x490] =	vst v9;
	v2 =	vadd.s32 v41, v10;
	v0 =	vadd.s32 v36, v0  }
0x64: {  	v12 =	vmul.u32 $0x380, v63;
	v2 =	vadd.s32 v43, v2;
	[tilespmem:$0x4B0] =	vst v0;
	v0 =	vadd.s32 v62, v5  }
0x65: {  	[tilespmem:$0x4A0] =	vst v38;
	v2 =	vadd.s32 v46, v2;
	v0 =	vadd.s32 v11, v0  }
0x66: {  	[tilespmem:$0x4C0] =	vst v2;
	v0 =	vadd.s32 v12, v0  }
0x67: {  	[tilespmem:$0x4F0] =	vst v0  }
0x68: {  	[tilespmem:s16], [sflag:$0x1] =	stream.indirect.gather [hbm4b:s1+s15], $0x1, s12, s15, $0xb8;
	[tilespmem:$0x800] =	vst v63  }
0x69: {  	v13 =	vld [tilespmem:$0x300]  }
0x6a: {  	v14 =	vld [tilespmem:$0x500]  }
0x6b: {  	v15 =	vld [tilespmem:$0x100]  }
0x6c: {  	v16 =	vld [tilespmem:$0x310]  }
0x6d: {  	v17 =	vld [tilespmem:$0x510]  }
0x6e: {  	v18 =	vld [tilespmem:$0x110]  }
0x6f: {  	v20 =	vld [tilespmem:$0x320]  }
0x70: {  	v21 =	vld [tilespmem:$0x520]  }
0x71: {  	v23 =	vld [tilespmem:$0x120]  }
0x72: {  	v26 =	vld [tilespmem:$0x330]  }
0x73: {  	v27 =	vld [tilespmem:$0x530]  }
0x74: {  	v31 =	vld [tilespmem:$0x340]  }
0x75: {  	v34 =	vld [tilespmem:$0x140]  }
0x76: {  	v37 =	vld [tilespmem:$0x350]  }
0x77: {  	v38 =	vld [tilespmem:$0x550]  }
0x78: {  	v41 =	vld [tilespmem:$0x360]  }
0x79: {  	v44 =	vld [tilespmem:$0x160]  }
0x7a: {  	v47 =	vld [tilespmem:$0x370]  }
0x7b: {  	v48 =	vld [tilespmem:$0x570]  }
0x7c: {  	v51 =	vld [tilespmem:$0x380];
	v0 =	vshll.u32 v13, $0x7;
	v2 =	vshll.u32 v15, $0x11;
	v1 =	vshrl.u32 v14, $0x7  }
0x7d: {  	v54 =	vld [tilespmem:$0x180];
	v22 =	vshll.u32 v16, $0x7;
	v25 =	vshrl.u32 v17, $0x7;
	v5 =	vshll.u32 v18, $0x11  }
0x7e: {  	v57 =	vld [tilespmem:$0x390];
	v29 =	vshll.u32 v20, $0x7;
	v3 =	vshll.u32 v23, $0x11;
	v6 =	vshrl.u32 v21, $0x7  }
0x7f: {  	v33 =	vshll.u32 v26, $0x7;
	v36 =	vshrl.u32 v27, $0x7;
	v39 =	vshll.u32 v31, $0x7  }
0x80: {  	v4 =	vshll.u32 v34, $0x11;
	v43 =	vshll.u32 v37, $0x7;
	v46 =	vshrl.u32 v38, $0x7  }
0x81: {  	v30 =	vld [tilespmem:$0x130];
	v49 =	vshll.u32 v41, $0x7;
	v8 =	vshll.u32 v44, $0x11;
	v53 =	vshll.u32 v47, $0x7  }
0x82: {  	v58 =	vld [tilespmem:$0x590];
	v56 =	vshrl.u32 v48, $0x7;
	v59 =	vshll.u32 v51, $0x7;
	v10 =	vshll.u32 v54, $0x11  }
0x83: {  	v61 =	vld [tilespmem:$0x3A0];
	v63 =	vshll.u32 v57, $0x7;
	v19 =	vand.u32 $0xFFFFFC00, v0;
	v0 =	vadd.s32 v0, v14  }
0x84: {  	v20 =	vld [tilespmem:$0x1A0];
	v1 =	vmul.u32 $0x380, v1;
	v24 =	vand.u32 $0xFFFFFC00, v22;
	v9 =	vmul.u32 $0x380, v25  }
0x85: {  	v23 =	vld [tilespmem:$0x3B0];
	v7 =	vand.u32 $0xFFFFFC00, v29;
	v6 =	vmul.u32 $0x380, v6;
	v35 =	vand.u32 $0xFFFFFC00, v33  }
0x86: {  	v26 =	vld [tilespmem:$0x1B0];
	v11 =	vmul.u32 $0x380, v36;
	v45 =	vand.u32 $0xFFFFFC00, v43;
	v13 =	vmul.u32 $0x380, v46  }
0x87: {  	v41 =	vld [tilespmem:$0x3E0];
	v55 =	vand.u32 $0xFFFFFC00, v53;
	v15 =	vmul.u32 $0x380, v56;
	v0 =	vadd.s32 v19, v0  }
0x88: {  	v47 =	vld [tilespmem:$0x1E0];
	v25 =	vshll.u32 v61, $0x7;
	v0 =	vadd.s32 v2, v0;
	v2 =	vadd.s32 v22, v17  }
0x89: {  	v32 =	vld [tilespmem:$0x540];
	v22 =	vshrl.u32 v58, $0x7;
	v2 =	vadd.s32 v24, v2;
	v0 =	vadd.s32 v1, v0  }
0x8a: {  	v17 =	vmul.u32 $0x380, v22;
	v28 =	vadd.s32 v5, v2;
	v2 =	vadd.s32 v29, v21  }
0x8b: {  	v40 =	vld [tilespmem:$0x150];
	v5 =	vshll.u32 v30, $0x11;
	v21 =	vand.u32 $0xFFFFFC00, v63;
	v12 =	vshll.u32 v20, $0x11  }
0x8c: {  	v42 =	vld [tilespmem:$0x560];
	v29 =	vshll.u32 v23, $0x7;
	v34 =	vshll.u32 v26, $0x11;
	v54 =	vshll.u32 v41, $0x7  }
0x8d: {  	v24 =	vld [tilespmem:$0x5B0];
	v57 =	vshll.u32 v47, $0x11;
	v1 =	vadd.s32 v9, v28;
	v2 =	vadd.s32 v7, v2  }
0x8e: {  	v50 =	vld [tilespmem:$0x170];
	v9 =	vand.u32 $0xFFFFFC00, v39;
	v7 =	vshrl.u32 v32, $0x7;
	v31 =	vand.u32 $0xFFFFFC00, v29  }
0x8f: {  	v36 =	vld [tilespmem:$0x5D0];
	v56 =	vand.u32 $0xFFFFFC00, v54;
	v2 =	vadd.s32 v3, v2;
	v3 =	vadd.s32 v33, v27  }
0x90: {  	v28 =	vld [tilespmem:$0x5C0];
	v7 =	vmul.u32 $0x380, v7;
	v3 =	vadd.s32 v35, v3;
	v2 =	vadd.s32 v6, v2  }
0x91: {  	v27 =	vld [tilespmem:$0x3C0];
	v6 =	vshll.u32 v40, $0x11;
	v3 =	vadd.s32 v5, v3;
	v5 =	vadd.s32 v39, v32  }
0x92: {  	v33 =	vld [tilespmem:$0x3D0];
	v32 =	vshrl.u32 v24, $0x7;
	v3 =	vadd.s32 v11, v3;
	v5 =	vadd.s32 v9, v5  }
0x93: {  	v30 =	vld [tilespmem:$0x1C0];
	v11 =	vand.u32 $0xFFFFFC00, v49;
	v9 =	vshrl.u32 v42, $0x7;
	v35 =	vmul.u32 $0x380, v32  }
0x94: {  	v44 =	vld [tilespmem:$0x5E0];
	v4 =	vadd.s32 v4, v5;
	v5 =	vadd.s32 v43, v38;
	v9 =	vmul.u32 $0x380, v9  }
0x95: {  	v52 =	vld [tilespmem:$0x580];
	v43 =	vshrl.u32 v28, $0x7;
	v5 =	vadd.s32 v45, v5;
	v4 =	vadd.s32 v7, v4  }
0x96: {  	v39 =	vld [tilespmem:$0x1D0];
	v7 =	vshll.u32 v50, $0x11;
	v38 =	vshll.u32 v27, $0x7;
	v45 =	vmul.u32 $0x380, v43  }
0x97: {  	v46 =	vshll.u32 v33, $0x7;
	v5 =	vadd.s32 v6, v5;
	v6 =	vadd.s32 v49, v42  }
0x98: {  	v60 =	vld [tilespmem:$0x190];
	[tilespmem:$0x530] =	vst v3;
	v40 =	vand.u32 $0xFFFFFC00, v38;
	v42 =	vshll.u32 v30, $0x11;
	v49 =	vshrl.u32 v36, $0x7  }
0x99: {  	[tilespmem:$0x540] =	vst v4;
	v3 =	vadd.s32 v46, v36;
	v4 =	vadd.s32 v54, v44;
	v5 =	vadd.s32 v13, v5  }
0x9a: {  	v6 =	vadd.s32 v11, v6;
	v13 =	vand.u32 $0xFFFFFC00, v59;
	v11 =	vshrl.u32 v52, $0x7  }
0x9b: {  	v50 =	vld [tilespmem:$0x3F0];
	v51 =	vshll.u32 v39, $0x11;
	v4 =	vadd.s32 v56, v4;
	v6 =	vadd.s32 v8, v6  }
0x9c: {  	v62 =	vld [tilespmem:$0x5A0];
	v8 =	vadd.s32 v53, v48;
	v11 =	vmul.u32 $0x380, v11;
	v48 =	vand.u32 $0xFFFFFC00, v46  }
0x9d: {  	v8 =	vadd.s32 v55, v8;
	v6 =	vadd.s32 v9, v6;
	v9 =	vshll.u32 v60, $0x11  }
0x9e: {  	v3 =	vadd.s32 v48, v3;
	v7 =	vadd.s32 v7, v8;
	v8 =	vadd.s32 v59, v52  }
0x9f: {  	v52 =	vmul.u32 $0x380, v49;
	v3 =	vadd.s32 v51, v3;
	v59 =	vadd.s32 v57, v4  }
0xa0: {  	[tilespmem:$0x500] =	vst v0;
	v53 =	vld [tilespmem:$0x5F0];
	v61 =	vshll.u32 v50, $0x7;
	v7 =	vadd.s32 v15, v7;
	v8 =	vadd.s32 v13, v8  }
0xa1: {  	[tilespmem:$0x510] =	vst v1;
	v15 =	vand.u32 $0xFFFFFC00, v25;
	v13 =	vshrl.u32 v62, $0x7;
	v8 =	vadd.s32 v10, v8  }
0xa2: {  	[tilespmem:$0x520] =	vst v2;
	v10 =	vadd.s32 v63, v58;
	v13 =	vmul.u32 $0x380, v13;
	v3 =	vadd.s32 v52, v3  }
0xa3: {  	[tilespmem:$0x550] =	vst v5;
	v58 =	vshrl.u32 v44, $0x7;
	v10 =	vadd.s32 v21, v10;
	v8 =	vadd.s32 v11, v8  }
0xa4: {  	v55 =	vld [tilespmem:$0x1F0];
	[tilespmem:$0x560] =	vst v6;
	v60 =	vmul.u32 $0x380, v58;
	v9 =	vadd.s32 v9, v10;
	v10 =	vadd.s32 v25, v62  }
0xa5: {  	[tilespmem:$0x570] =	vst v7;
	v7 =	vadd.s32 v61, v53;
	v5 =	vshrl.u32 v53, $0x7;
	v10 =	vadd.s32 v15, v10  }
0xa6: {  	[tilespmem:$0x5D0] =	vst v3;
	v62 =	vand.u32 $0xFFFFFC00, v61;
	v10 =	vadd.s32 v12, v10;
	v12 =	vadd.s32 v29, v24  }
0xa7: {  	[tilespmem:$0x580] =	vst v8;
	v9 =	vadd.s32 v17, v9;
	v1 =	vadd.s32 v60, v59;
	v12 =	vadd.s32 v31, v12  }
0xa8: {  	[tilespmem:$0x590] =	vst v9;
	v37 =	vadd.s32 v13, v10;
	v10 =	vadd.s32 v38, v28;
	v0 =	vadd.s32 v34, v12  }
0xa9: {  	v63 =	vshll.u32 v55, $0x11;
	[tilespmem:$0x5E0] =	vst v1;
	v2 =	vadd.s32 v40, v10;
	v0 =	vadd.s32 v35, v0  }
0xaa: {  	v5 =	vmul.u32 $0x380, v5;
	v2 =	vadd.s32 v42, v2;
	[tilespmem:$0x5B0] =	vst v0;
	v0 =	vadd.s32 v62, v7  }
0xab: {  	[tilespmem:$0x5A0] =	vst v37;
	v2 =	vadd.s32 v45, v2;
	v0 =	vadd.s32 v63, v0  }
0xac: {  	[tilespmem:$0x5C0] =	vst v2;
	v0 =	vadd.s32 v5, v0  }
0xad: {  	[tilespmem:$0x5F0] =	vst v0  }
0xae: {  	[tilespmem:s17], [sflag:$0x1] =	stream.indirect.gather [hbm4b:s1+s15], $0x1, s13, s15, $0xb8;
	[tilespmem:$0x800] =	vst v63  }
0xaf: {  	_ =	swait.ge [sflag:s14], $0x100  }
0xb0: {  	[sflag:s14] =	ssyncset.done $0x0  }
0xb1: {  	[sflag:s14] =	ssyncadd.s32 $0xFFFFFF00  }
0xb2: {  	[hbm4b:s8+s3] =	stream.linear.scatter [tilespmem:s16], [sflag:$0x2], $0x100, $0x38;
	[tilespmem:$0x800] =	vst v63  }
0xb3: {  	_ =	swait.ge [sflag:s14], $0x100  }
0xb4: {  	[sflag:s14] =	ssyncset.done $0x0  }
0xb5: {  	[sflag:s14] =	ssyncadd.s32 $0xFFFFFF00  }
0xb6: {  	[hbm4b:s9+s3] =	stream.linear.scatter [tilespmem:s17], [sflag:$0x2], $0x100, $0x38;
	[tilespmem:$0x800] =	vst v63  }
0xb7: {  	p0 =	sne.s32 s10, $0x1;
	_ =	swait.ge [sflag:s18], $0x100  }
.Ltmp0:
0xb8: {  	[sflag:s18] =	ssyncset.done $0x0;
	(pc) =	sbr.rel @p0 .LBB2_1-.Ltmp0, $4  }
0xb9: {  	[sflag:s18] =	ssyncadd.s32 $0xFFFFFF00  }
0xba: {  	_ =	swait.ge [sflag:s18], $0x100  }
0xbb: {  	[sflag:s18] =	ssyncset.done $0x0  }
0xbc: {  	s10 =	sadd.s32 $0xFFFFFFFF, s10;
	[sflag:s18] =	ssyncadd.s32 $0xFFFFFF00  }
0xbd: {  	_ =	sfence.sel $0x180000  }
0xbe: {  	[bflag:$0x0] =	sbarrier.arrive $0xFFFF  }
0xbf: {  	p0 =	sne.s32 s2, $0x0;
	_ =	strace $0x90000047  }
0xc0: {  	s0 =	sadd.s32 @!p0 $0x100000, s0;
	[bflag:$0x2] =	sbarrier.arrive $0xFFFF  }
0xc1: {  	[sflag:s0] =	ssyncadd.tile.s32 @!p0 $0x1;
	_ =	shalt  }
.Lfunc_end2:
_tile_overlayer_lowered:
.L_overlay_start_2:
0xc2: {  	(tag) =	ssettag $0x2  }
0xc3: {  	s0 =	rddreg [dreg:$0x0];
	s2 =	stileid.u32  }
0xc4: {  	s1 =	rddreg [dreg:$0x1];
	p0 =	sne.s32 s2, $0x0  }
0xc5: {  	s3 =	rddreg [dreg:$0x2];
	[bflag:$0x3] =	sbarrier.arrive $0xFFFF;
	s2 =	simm.s32 @!p0 $0x1C03  }
0xc6: {  	[timem:s3], [sflag:s2] =	dma.local @!p0 [hbm:s0], s1  }
0xc7: {  	s0 =	simm.s32 @!p0 $0x3  }
0xc8: {  	_ =	swait.ge @!p0 [sflag:s0], s1  }
0xc9: {  	s1 =	ssub.s32 @!p0 $0x0, s1;
	[sflag:s0] =	ssyncset.done @!p0 $0x0  }
0xca: {  	[sflag:s0] =	ssyncadd.s32 @!p0 s1  }
0xcb: {  	[bflag:$0x3] =	sbarrier.arrive $0xFFFF  }
0xcc: {  	_ =	shalt  }

</sc_bundles>
